<compile_context>
chip_gen: v7x
topology: tpu7x:2x2x1
jax: 0.10.2.dev20260603
libtpu: 0.0.44.dev20260713+nightly
codegen_flags: <defaults>
</compile_context>

<pallas_src>
import functools

import jax
import jax.numpy as jnp
from jax import lax
from jax.experimental import pallas as pl
from jax.experimental.pallas import tpu as pltpu
from jax.experimental.pallas import tpu_sc as plsc

NCODES = 8192
CDIM = 64
TOK = 8192
TM = 1024
CB = 1024
NW = 32
TPW = TOK // NW



def _argmin_body(z_ref, w_ref, idx_ref, loss_ref, wsq_ref, acc_ref):
    i = pl.program_id(0)

    @pl.when(i == 0)
    def _precompute():
        acc_ref[...] = jnp.zeros((1, 1), jnp.float32)

        def wstep(c, _):
            wc = w_ref[pl.ds(c * CB, CB), :]
            wsq_ref[pl.ds(c, 1), :] = jnp.sum(wc * wc, axis=1)[None, :]
            return 0

        lax.fori_loop(0, NCODES // CB, wstep, 0)

    z = z_ref[...]
    zsq = jnp.sum(z * z, axis=1, keepdims=True)
    z2 = z + z
    ids = lax.broadcasted_iota(jnp.int32, (TM, CB), 1).astype(jnp.float32)

    bval = jnp.full((TM, 1), jnp.inf, jnp.float32)
    bidx = jnp.zeros((TM, 1), jnp.float32)
    for c in range(NCODES // CB):
        wc = w_ref[c * CB:(c + 1) * CB, :]
        p2 = lax.dot_general(z2, wc, (((1,), (1,)), ((), ())),
                             preferred_element_type=jnp.float32)
        dist = (zsq + wsq_ref[c:c + 1, :]) - p2
        lmin = jnp.min(dist, axis=1, keepdims=True)
        lidx = jnp.min(jnp.where(dist == lmin, ids, float(2 * CB)),
                       axis=1, keepdims=True)
        lidx = lidx + float(c * CB)
        upd = lmin < bval
        bval = jnp.where(upd, lmin, bval)
        bidx = jnp.where(upd, lidx, bidx)
    idx_ref[...] = bidx.astype(jnp.int32)

    acc_ref[...] += jnp.sum(bval).reshape(1, 1)

    @pl.when(i == pl.num_programs(0) - 1)
    def _finish():
        loss_ref[...] = 0.25 * acc_ref[...] / float(TOK * CDIM)


_argmin_call = pl.pallas_call(
    _argmin_body,
    grid=(TOK // TM,),
    in_specs=[
        pl.BlockSpec((TM, CDIM), lambda i: (i, 0)),
        pl.BlockSpec((NCODES, CDIM), lambda i: (0, 0)),
    ],
    out_specs=[
        pl.BlockSpec((TM, 1), lambda i: (i, 0)),
        pl.BlockSpec((1, 1), lambda i: (0, 0)),
    ],
    out_shape=[
        jax.ShapeDtypeStruct((TOK, 1), jnp.int32),
        jax.ShapeDtypeStruct((1, 1), jnp.float32),
    ],
    scratch_shapes=[
        pltpu.VMEM((NCODES // CB, CB), jnp.float32),
        pltpu.VMEM((1, 1), jnp.float32),
    ],
)



@functools.cache
def _sc_gather_hist_call():
    mesh = plsc.VectorSubcoreMesh(core_axis_name="c", subcore_axis_name="s")
    return pl.kernel(
        _sc_gather_hist,
        mesh=mesh,
        out_type=(
            jax.ShapeDtypeStruct((TOK, 128), jnp.float32),
            jax.ShapeDtypeStruct((2, NCODES), jnp.float32),
        ),
        scratch_types=(
            pltpu.VMEM((2, 128), jnp.int32),
            pltpu.VMEM((TPW, 128), jnp.float32),
            pltpu.VMEM((128,), jnp.float32),
            pltpu.VMEM_SHARED((NCODES,), jnp.float32),
            pltpu.SemaphoreType.DMA,
        ),
    )


def _sc_gather_hist(idx_hbm, w_hbm, zeros_hbm, zq_hbm, cnt_hbm,
                    idx_v, rows_v, ones_v, cnt_sh, sem):
    c = lax.axis_index("c")
    s = lax.axis_index("s")
    wid = s * 2 + c
    base = wid * TPW

    for t in range(8):
        ones_v[pl.ds(t * 16, 16)] = jnp.ones((16,), jnp.float32)

    pltpu.sync_copy(idx_hbm.at[wid], idx_v)

    cp0 = pltpu.async_copy(w_hbm.at[idx_v.at[0]], rows_v.at[pl.ds(0, 128)],
                           sem)
    cp1 = pltpu.async_copy(w_hbm.at[idx_v.at[1]], rows_v.at[pl.ds(128, 128)],
                           sem)

    @pl.when(s == 0)
    def _init_counts():
        pltpu.sync_copy(zeros_hbm, cnt_sh)

    cp0.wait()
    cp1.wait()
    pltpu.sync_copy(rows_v, zq_hbm.at[pl.ds(base, TPW)])

    plsc.subcore_barrier()
    pltpu.sync_copy(ones_v, cnt_sh.at[idx_v.at[0]], add=True)
    pltpu.sync_copy(ones_v, cnt_sh.at[idx_v.at[1]], add=True)
    plsc.subcore_barrier()

    @pl.when(s == 0)
    def _write_counts():
        pltpu.sync_copy(cnt_sh, cnt_hbm.at[c])



def _scalars_body(c_ref, perp_ref):
    avg = jnp.sum(c_ref[...], axis=0, keepdims=True) / float(TOK)
    ent = -jnp.sum(avg * jnp.log(avg + 1e-10))
    perp_ref[...] = jnp.exp(ent).reshape(1, 1)


_scalars_call = pl.pallas_call(
    _scalars_body,
    out_shape=jax.ShapeDtypeStruct((1, 1), jnp.float32),
)



def kernel(z, weight):
    B, C, H, W = z.shape
    z_t = jnp.transpose(z, (0, 2, 3, 1))
    z_flat = z_t.reshape(-1, C)

    idx2d, loss2 = _argmin_call(z_flat, weight)

    idx_r = idx2d.reshape(NW, 2, 128)
    zeros = jnp.zeros((NCODES,), jnp.float32)
    wpad = jnp.pad(weight, ((0, 0), (0, 128 - CDIM)))
    zq_pad, cnt = _sc_gather_hist_call()(idx_r, wpad, zeros)

    perp2 = _scalars_call(cnt)

    z_q = zq_pad[:, :CDIM].reshape(B, H, W, C).transpose(0, 3, 1, 2)
    return (z_q, loss2[0, 0], idx2d.reshape(B, H, W), perp2[0, 0])

# --- scband reference (transcript-rebuilt; emitter-appended) ---
"""Pipeline reference for scband-emaquantize-55490977465091 (READ-ONLY COPY).

The authoritative reference and input builder live on the scoring server;
editing this copy changes nothing except your own understanding.
"""

import jax, jax.numpy as jnp
import numpy as np
import math

NUM_CODES = 8192
CODE_DIM = 64
COMMITMENT_COST = 0.25

def setup_inputs(seed: int = 0) -> dict:
    key = jax.random.key(seed)
    k1, k2 = jax.random.split(key)
    z = jax.random.normal(k1, (8, 64, 32, 32), dtype=jnp.float32)
    bound = math.sqrt(3.0 / NUM_CODES)
    weight = jax.random.uniform(k2, (NUM_CODES, CODE_DIM), dtype=jnp.float32, minval=-bound, maxval=bound)
    return {"z": z, "weight": weight}

def reference(z, weight):
    B, C, H, W = z.shape
    z_t = jnp.transpose(z, (0, 2, 3, 1))
    z_flat = z_t.reshape(-1, C)
    dist = (jnp.sum(z_flat ** 2, axis=1, keepdims=True)
            + jnp.sum(weight ** 2, axis=1)
            - 2.0 * z_flat @ weight.T)
    min_encoding_indices = jnp.argmin(dist, axis=1)
    z_q = jnp.take(weight, min_encoding_indices, axis=0).reshape(z_t.shape)
    encodings = jax.nn.one_hot(min_encoding_indices, NUM_CODES, dtype=z.dtype)
    avg_use = jnp.mean(encodings, axis=0)
    perplexity = jnp.exp(-jnp.sum(avg_use * jnp.log(avg_use + 1e-10)))
    loss = COMMITMENT_COST * jnp.mean((jax.lax.stop_gradient(z_q) - z_t) ** 2)
    z_q = z_t + jax.lax.stop_gradient(z_q - z_t)
    z_q = jnp.transpose(z_q, (0, 3, 1, 2))
    min_encoding_indices = min_encoding_indices.reshape(B, H, W)
    return (z_q, loss, min_encoding_indices, perplexity)

if __name__ == "__main__":
    import jax
    _d = setup_inputs()
    print(jax.jit(kernel)(*tuple(_d.values())))

</pallas_src>

<mosaic_0001>
#map = affine_map<(d0, d1) -> (0, 0, 0)>
#map1 = affine_map<(d0, d1) -> (0, 0)>
#map2 = affine_map<(d0, d1) -> (0)>
module attributes {stable_mosaic.version = 14 : i64} {
  func.func @_sc_gather_hist(%arg0: i32, %arg1: i32, %arg2: memref<32x2x128xi32, #tpu.memory_space<hbm>>, %arg3: memref<8192x128xf32, #tpu.memory_space<hbm>>, %arg4: memref<8192xf32, #tpu.memory_space<hbm>>, %arg5: memref<8192x128xf32, #tpu.memory_space<hbm>>, %arg6: memref<2x8192xf32, #tpu.memory_space<hbm>>, %arg7: memref<2x128xi32, #tpu.memory_space<vmem>>, %arg8: memref<256x128xf32, #tpu.memory_space<vmem>>, %arg9: memref<128xf32, #tpu.memory_space<vmem>>, %arg10: memref<8192xf32, #tpu.memory_space<vmem_shared>>, %arg11: memref<!tpu.dma_semaphore, #tpu.memory_space<semaphore_mem>>) attributes {dimension_semantics = [#tpu.dimension_semantics<core_parallel>, #tpu.dimension_semantics<subcore_parallel>], iteration_bounds = array<i64: 2, 16>, scalar_prefetch = 0 : i64, scratch_operands = 5 : i64, tpu.core_type = #tpu.core_type<sc_vector_subcore>, window_params = [{transform_indices = #map}, {transform_indices = #map1}, {transform_indices = #map2}, {transform_indices = #map1}, {transform_indices = #map1}]} {
    %mul3A = arith.constant 2 : i32
    %mul3A_0 = arith.muli %arg1, %mul3A : i32
    %add3A = arith.addi %mul3A_0, %arg0 : i32
    %mul3A_1 = arith.constant 256 : i32
    %mul3A_2 = arith.muli %add3A, %mul3A_1 : i32
    %broadcast_in_dim3A = arith.constant 1.000000e+00 : f32
    %broadcast_in_dim3A_3 = vector.broadcast %broadcast_in_dim3A : f32 to vector<16xf32>
    %swap3A = arith.constant 0 : index
    %swap3A_4 = tpu.vector_load %arg9[%swap3A] {strides = array<i32>} : memref<128xf32, #tpu.memory_space<vmem>>, vector<16xf32>,
    %swap3A_5 = vector.shape_cast %swap3A_4 : vector<16xf32> to vector<16xf32>
    %swap3A_6 = vector.shape_cast %broadcast_in_dim3A_3 : vector<16xf32> to vector<16xf32>
    tpu.vector_store %arg9[%swap3A], %swap3A_6 {strides = array<i32>} : memref<128xf32, #tpu.memory_space<vmem>>, vector<16xf32>,
    %broadcast_in_dim3A_7 = arith.constant 1.000000e+00 : f32
    %broadcast_in_dim3A_8 = vector.broadcast %broadcast_in_dim3A_7 : f32 to vector<16xf32>
    %swap3A_9 = arith.constant 16 : index
    %swap3A_10 = tpu.vector_load %arg9[%swap3A_9] {strides = array<i32>} : memref<128xf32, #tpu.memory_space<vmem>>, vector<16xf32>,
    %swap3A_11 = vector.shape_cast %swap3A_10 : vector<16xf32> to vector<16xf32>
    %swap3A_12 = vector.shape_cast %broadcast_in_dim3A_8 : vector<16xf32> to vector<16xf32>
    tpu.vector_store %arg9[%swap3A_9], %swap3A_12 {strides = array<i32>} : memref<128xf32, #tpu.memory_space<vmem>>, vector<16xf32>,
    %broadcast_in_dim3A_13 = arith.constant 1.000000e+00 : f32
    %broadcast_in_dim3A_14 = vector.broadcast %broadcast_in_dim3A_13 : f32 to vector<16xf32>
    %swap3A_15 = arith.constant 32 : index
    %swap3A_16 = tpu.vector_load %arg9[%swap3A_15] {strides = array<i32>} : memref<128xf32, #tpu.memory_space<vmem>>, vector<16xf32>,
    %swap3A_17 = vector.shape_cast %swap3A_16 : vector<16xf32> to vector<16xf32>
    %swap3A_18 = vector.shape_cast %broadcast_in_dim3A_14 : vector<16xf32> to vector<16xf32>
    tpu.vector_store %arg9[%swap3A_15], %swap3A_18 {strides = array<i32>} : memref<128xf32, #tpu.memory_space<vmem>>, vector<16xf32>,
    %broadcast_in_dim3A_19 = arith.constant 1.000000e+00 : f32
    %broadcast_in_dim3A_20 = vector.broadcast %broadcast_in_dim3A_19 : f32 to vector<16xf32>
    %swap3A_21 = arith.constant 48 : index
    %swap3A_22 = tpu.vector_load %arg9[%swap3A_21] {strides = array<i32>} : memref<128xf32, #tpu.memory_space<vmem>>, vector<16xf32>,
    %swap3A_23 = vector.shape_cast %swap3A_22 : vector<16xf32> to vector<16xf32>
    %swap3A_24 = vector.shape_cast %broadcast_in_dim3A_20 : vector<16xf32> to vector<16xf32>
    tpu.vector_store %arg9[%swap3A_21], %swap3A_24 {strides = array<i32>} : memref<128xf32, #tpu.memory_space<vmem>>, vector<16xf32>,
    %broadcast_in_dim3A_25 = arith.constant 1.000000e+00 : f32
    %broadcast_in_dim3A_26 = vector.broadcast %broadcast_in_dim3A_25 : f32 to vector<16xf32>
    %swap3A_27 = arith.constant 64 : index
    %swap3A_28 = tpu.vector_load %arg9[%swap3A_27] {strides = array<i32>} : memref<128xf32, #tpu.memory_space<vmem>>, vector<16xf32>,
    %swap3A_29 = vector.shape_cast %swap3A_28 : vector<16xf32> to vector<16xf32>
    %swap3A_30 = vector.shape_cast %broadcast_in_dim3A_26 : vector<16xf32> to vector<16xf32>
    tpu.vector_store %arg9[%swap3A_27], %swap3A_30 {strides = array<i32>} : memref<128xf32, #tpu.memory_space<vmem>>, vector<16xf32>,
    %broadcast_in_dim3A_31 = arith.constant 1.000000e+00 : f32
    %broadcast_in_dim3A_32 = vector.broadcast %broadcast_in_dim3A_31 : f32 to vector<16xf32>
    %swap3A_33 = arith.constant 80 : index
    %swap3A_34 = tpu.vector_load %arg9[%swap3A_33] {strides = array<i32>} : memref<128xf32, #tpu.memory_space<vmem>>, vector<16xf32>,
    %swap3A_35 = vector.shape_cast %swap3A_34 : vector<16xf32> to vector<16xf32>
    %swap3A_36 = vector.shape_cast %broadcast_in_dim3A_32 : vector<16xf32> to vector<16xf32>
    tpu.vector_store %arg9[%swap3A_33], %swap3A_36 {strides = array<i32>} : memref<128xf32, #tpu.memory_space<vmem>>, vector<16xf32>,
    %broadcast_in_dim3A_37 = arith.constant 1.000000e+00 : f32
    %broadcast_in_dim3A_38 = vector.broadcast %broadcast_in_dim3A_37 : f32 to vector<16xf32>
    %swap3A_39 = arith.constant 96 : index
    %swap3A_40 = tpu.vector_load %arg9[%swap3A_39] {strides = array<i32>} : memref<128xf32, #tpu.memory_space<vmem>>, vector<16xf32>,
    %swap3A_41 = vector.shape_cast %swap3A_40 : vector<16xf32> to vector<16xf32>
    %swap3A_42 = vector.shape_cast %broadcast_in_dim3A_38 : vector<16xf32> to vector<16xf32>
    tpu.vector_store %arg9[%swap3A_39], %swap3A_42 {strides = array<i32>} : memref<128xf32, #tpu.memory_space<vmem>>, vector<16xf32>,
    %broadcast_in_dim3A_43 = arith.constant 1.000000e+00 : f32
    %broadcast_in_dim3A_44 = vector.broadcast %broadcast_in_dim3A_43 : f32 to vector<16xf32>
    %swap3A_45 = arith.constant 112 : index
    %swap3A_46 = tpu.vector_load %arg9[%swap3A_45] {strides = array<i32>} : memref<128xf32, #tpu.memory_space<vmem>>, vector<16xf32>,
    %swap3A_47 = vector.shape_cast %swap3A_46 : vector<16xf32> to vector<16xf32>
    %swap3A_48 = vector.shape_cast %broadcast_in_dim3A_44 : vector<16xf32> to vector<16xf32>
    tpu.vector_store %arg9[%swap3A_45], %swap3A_48 {strides = array<i32>} : memref<128xf32, #tpu.memory_space<vmem>>, vector<16xf32>,
    "tpu.region"() ({
      %run_scoped3A_96 = tpu.sem_alloc : memref<!tpu.dma_semaphore, #tpu.memory_space<semaphore_mem>>
      %dma_start3A_97 = arith.constant 0 : i32
      %dma_start3A_98 = arith.constant 0 : i32
      %dma_start3A_99 = tpu.memref_slice %arg2[%add3A, %dma_start3A_97, %dma_start3A_98] : memref<32x2x128xi32, #tpu.memory_space<hbm>> -> memref<1x2x128xi32, #tpu.memory_space<hbm>>
      %dma_start3A_100 = tpu.memref_squeeze %dma_start3A_99 : memref<1x2x128xi32, #tpu.memory_space<hbm>> -> memref<2x128xi32, #tpu.memory_space<hbm>>
      %dma_start3A_101 = arith.constant 0 : i32
      %dma_start3A_102 = arith.constant 0 : i32
      %dma_start3A_103 = tpu.memref_slice %arg2[%add3A, %dma_start3A_101, %dma_start3A_102] : memref<32x2x128xi32, #tpu.memory_space<hbm>> -> memref<1x2x128xi32, #tpu.memory_space<hbm>>
      %dma_start3A_104 = tpu.memref_squeeze %dma_start3A_103 : memref<1x2x128xi32, #tpu.memory_space<hbm>> -> memref<2x128xi32, #tpu.memory_space<hbm>>
      tpu.enqueue_dma source(%dma_start3A_104 : memref<2x128xi32, #tpu.memory_space<hbm>>) target(%arg7 : memref<2x128xi32, #tpu.memory_space<vmem>>) target_semaphore(%run_scoped3A_96 : memref<!tpu.dma_semaphore, #tpu.memory_space<semaphore_mem>>)
      %dma_wait3A_105 = arith.constant 0 : i32
      %dma_wait3A_106 = arith.constant 0 : i32
      %dma_wait3A_107 = tpu.memref_slice %arg2[%add3A, %dma_wait3A_105, %dma_wait3A_106] : memref<32x2x128xi32, #tpu.memory_space<hbm>> -> memref<1x2x128xi32, #tpu.memory_space<hbm>>
      %dma_wait3A_108 = tpu.memref_squeeze %dma_wait3A_107 : memref<1x2x128xi32, #tpu.memory_space<hbm>> -> memref<2x128xi32, #tpu.memory_space<hbm>>
      %dma_wait3A_109 = arith.constant 0 : i32
      %dma_wait3A_110 = arith.constant 0 : i32
      %dma_wait3A_111 = tpu.memref_slice %arg2[%add3A, %dma_wait3A_109, %dma_wait3A_110] : memref<32x2x128xi32, #tpu.memory_space<hbm>> -> memref<1x2x128xi32, #tpu.memory_space<hbm>>
      %dma_wait3A_112 = tpu.memref_squeeze %dma_wait3A_111 : memref<1x2x128xi32, #tpu.memory_space<hbm>> -> memref<2x128xi32, #tpu.memory_space<hbm>>
      tpu.wait_dma2 semaphore(%run_scoped3A_96 : memref<!tpu.dma_semaphore, #tpu.memory_space<semaphore_mem>>) src(%dma_wait3A_112 : memref<2x128xi32, #tpu.memory_space<hbm>>) dst(%arg7 : memref<2x128xi32, #tpu.memory_space<vmem>>)
      tpu.yield
    }) : () -> ()
    %dma_start3A = arith.constant 0 : i32
    %dma_start3A_49 = arith.constant 0 : i32
    %dma_start3A_50 = arith.constant 0 : i32
    %dma_start3A_51 = tpu.memref_slice %arg8[%dma_start3A_49, %dma_start3A_50] : memref<256x128xf32, #tpu.memory_space<vmem>> -> memref<128x128xf32, #tpu.memory_space<vmem>>
    %dma_start3A_52 = arith.constant 0 : i32
    %dma_start3A_53 = tpu.memref_slice %arg7[%dma_start3A, %dma_start3A_52] : memref<2x128xi32, #tpu.memory_space<vmem>> -> memref<1x128xi32, #tpu.memory_space<vmem>>
    %dma_start3A_54 = tpu.memref_squeeze %dma_start3A_53 : memref<1x128xi32, #tpu.memory_space<vmem>> -> memref<128xi32, #tpu.memory_space<vmem>>
    %dma_start3A_55 = arith.constant 0 : i32
    %dma_start3A_56 = arith.constant 0 : i32
    %dma_start3A_57 = tpu.memref_slice %arg3[%dma_start3A_55, %dma_start3A_56] : memref<8192x128xf32, #tpu.memory_space<hbm>> -> memref<8192x128xf32, #tpu.memory_space<hbm>>
    tpu.enqueue_indirect_dma source(%dma_start3A_57 : memref<8192x128xf32, #tpu.memory_space<hbm>>) target(%dma_start3A_51 : memref<128x128xf32, #tpu.memory_space<vmem>>) offsets(%dma_start3A_54 : memref<128xi32, #tpu.memory_space<vmem>>) semaphore(%arg11 : memref<!tpu.dma_semaphore, #tpu.memory_space<semaphore_mem>>)
    %dma_start3A_58 = arith.constant 1 : i32
    %dma_start3A_59 = arith.constant 128 : i32
    %dma_start3A_60 = arith.constant 0 : i32
    %dma_start3A_61 = tpu.memref_slice %arg8[%dma_start3A_59, %dma_start3A_60] : memref<256x128xf32, #tpu.memory_space<vmem>> -> memref<128x128xf32, #tpu.memory_space<vmem>>
    %dma_start3A_62 = arith.constant 0 : i32
    %dma_start3A_63 = tpu.memref_slice %arg7[%dma_start3A_58, %dma_start3A_62] : memref<2x128xi32, #tpu.memory_space<vmem>> -> memref<1x128xi32, #tpu.memory_space<vmem>>
    %dma_start3A_64 = tpu.memref_squeeze %dma_start3A_63 : memref<1x128xi32, #tpu.memory_space<vmem>> -> memref<128xi32, #tpu.memory_space<vmem>>
    %dma_start3A_65 = arith.constant 0 : i32
    %dma_start3A_66 = arith.constant 0 : i32
    %dma_start3A_67 = tpu.memref_slice %arg3[%dma_start3A_65, %dma_start3A_66] : memref<8192x128xf32, #tpu.memory_space<hbm>> -> memref<8192x128xf32, #tpu.memory_space<hbm>>
    tpu.enqueue_indirect_dma source(%dma_start3A_67 : memref<8192x128xf32, #tpu.memory_space<hbm>>) target(%dma_start3A_61 : memref<128x128xf32, #tpu.memory_space<vmem>>) offsets(%dma_start3A_64 : memref<128xi32, #tpu.memory_space<vmem>>) semaphore(%arg11 : memref<!tpu.dma_semaphore, #tpu.memory_space<semaphore_mem>>)
    %eq3A = arith.constant 0 : i32
    %eq3A_68 = arith.cmpi eq, %arg1, %eq3A : i32
    %convert_element_type3A = arith.extui %eq3A_68 : i1 to i32
    %cond3A = arith.constant 0 : i32
    %cond3A_69 = arith.cmpi ne, %convert_element_type3A, %cond3A : i32
    scf.if %cond3A_69 {
      "tpu.region"() ({
        %run_scoped3A_96 = tpu.sem_alloc : memref<!tpu.dma_semaphore, #tpu.memory_space<semaphore_mem>>
        tpu.enqueue_dma source(%arg4 : memref<8192xf32, #tpu.memory_space<hbm>>) target(%arg10 : memref<8192xf32, #tpu.memory_space<vmem_shared>>) target_semaphore(%run_scoped3A_96 : memref<!tpu.dma_semaphore, #tpu.memory_space<semaphore_mem>>)
        tpu.wait_dma2 semaphore(%run_scoped3A_96 : memref<!tpu.dma_semaphore, #tpu.memory_space<semaphore_mem>>) src(%arg4 : memref<8192xf32, #tpu.memory_space<hbm>>) dst(%arg10 : memref<8192xf32, #tpu.memory_space<vmem_shared>>)
        tpu.yield
      }) : () -> ()
    } else {
    }
    %dma_wait3A = arith.constant 0 : i32
    %dma_wait3A_70 = arith.constant 0 : i32
    %dma_wait3A_71 = arith.constant 0 : i32
    %dma_wait3A_72 = tpu.memref_slice %arg8[%dma_wait3A_70, %dma_wait3A_71] : memref<256x128xf32, #tpu.memory_space<vmem>> -> memref<128x128xf32, #tpu.memory_space<vmem>>
    %dma_wait3A_73 = arith.constant 0 : i32
    %dma_wait3A_74 = tpu.memref_slice %arg7[%dma_wait3A, %dma_wait3A_73] : memref<2x128xi32, #tpu.memory_space<vmem>> -> memref<1x128xi32, #tpu.memory_space<vmem>>
    %dma_wait3A_75 = tpu.memref_squeeze %dma_wait3A_74 : memref<1x128xi32, #tpu.memory_space<vmem>> -> memref<128xi32, #tpu.memory_space<vmem>>
    %dma_wait3A_76 = arith.constant 0 : i32
    %dma_wait3A_77 = arith.constant 0 : i32
    %dma_wait3A_78 = tpu.memref_slice %arg3[%dma_wait3A_76, %dma_wait3A_77] : memref<8192x128xf32, #tpu.memory_space<hbm>> -> memref<8192x128xf32, #tpu.memory_space<hbm>>
    tpu.wait_indirect_dma semaphore(%arg11 : memref<!tpu.dma_semaphore, #tpu.memory_space<semaphore_mem>>) src(%dma_wait3A_78 : memref<8192x128xf32, #tpu.memory_space<hbm>>) dst(%dma_wait3A_72 : memref<128x128xf32, #tpu.memory_space<vmem>>)
    %dma_wait3A_79 = arith.constant 1 : i32
    %dma_wait3A_80 = arith.constant 128 : i32
    %dma_wait3A_81 = arith.constant 0 : i32
    %dma_wait3A_82 = tpu.memref_slice %arg8[%dma_wait3A_80, %dma_wait3A_81] : memref<256x128xf32, #tpu.memory_space<vmem>> -> memref<128x128xf32, #tpu.memory_space<vmem>>
    %dma_wait3A_83 = arith.constant 0 : i32
    %dma_wait3A_84 = tpu.memref_slice %arg7[%dma_wait3A_79, %dma_wait3A_83] : memref<2x128xi32, #tpu.memory_space<vmem>> -> memref<1x128xi32, #tpu.memory_space<vmem>>
    %dma_wait3A_85 = tpu.memref_squeeze %dma_wait3A_84 : memref<1x128xi32, #tpu.memory_space<vmem>> -> memref<128xi32, #tpu.memory_space<vmem>>
    %dma_wait3A_86 = arith.constant 0 : i32
    %dma_wait3A_87 = arith.constant 0 : i32
    %dma_wait3A_88 = tpu.memref_slice %arg3[%dma_wait3A_86, %dma_wait3A_87] : memref<8192x128xf32, #tpu.memory_space<hbm>> -> memref<8192x128xf32, #tpu.memory_space<hbm>>
    tpu.wait_indirect_dma semaphore(%arg11 : memref<!tpu.dma_semaphore, #tpu.memory_space<semaphore_mem>>) src(%dma_wait3A_88 : memref<8192x128xf32, #tpu.memory_space<hbm>>) dst(%dma_wait3A_82 : memref<128x128xf32, #tpu.memory_space<vmem>>)
    "tpu.region"() ({
      %run_scoped3A_96 = tpu.sem_alloc : memref<!tpu.dma_semaphore, #tpu.memory_space<semaphore_mem>>
      %dma_start3A_97 = arith.constant 0 : i32
      %dma_start3A_98 = tpu.memref_slice %arg5[%mul3A_2, %dma_start3A_97] : memref<8192x128xf32, #tpu.memory_space<hbm>> -> memref<256x128xf32, #tpu.memory_space<hbm>>
      %dma_start3A_99 = arith.constant 0 : i32
      %dma_start3A_100 = tpu.memref_slice %arg5[%mul3A_2, %dma_start3A_99] : memref<8192x128xf32, #tpu.memory_space<hbm>> -> memref<256x128xf32, #tpu.memory_space<hbm>>
      tpu.enqueue_dma source(%arg8 : memref<256x128xf32, #tpu.memory_space<vmem>>) target(%dma_start3A_100 : memref<256x128xf32, #tpu.memory_space<hbm>>) target_semaphore(%run_scoped3A_96 : memref<!tpu.dma_semaphore, #tpu.memory_space<semaphore_mem>>)
      %dma_wait3A_101 = arith.constant 0 : i32
      %dma_wait3A_102 = tpu.memref_slice %arg5[%mul3A_2, %dma_wait3A_101] : memref<8192x128xf32, #tpu.memory_space<hbm>> -> memref<256x128xf32, #tpu.memory_space<hbm>>
      %dma_wait3A_103 = arith.constant 0 : i32
      %dma_wait3A_104 = tpu.memref_slice %arg5[%mul3A_2, %dma_wait3A_103] : memref<8192x128xf32, #tpu.memory_space<hbm>> -> memref<256x128xf32, #tpu.memory_space<hbm>>
      tpu.wait_dma2 semaphore(%run_scoped3A_96 : memref<!tpu.dma_semaphore, #tpu.memory_space<semaphore_mem>>) src(%arg8 : memref<256x128xf32, #tpu.memory_space<vmem>>) dst(%dma_wait3A_104 : memref<256x128xf32, #tpu.memory_space<hbm>>)
      tpu.yield
    }) : () -> ()
    %barrier3A = arith.constant 0 : index
    tpu.barrier barrier_id(%barrier3A)
    %run_scoped3A = arith.constant 0 : i32
    "tpu.region"() ({
      %run_scoped3A_96 = tpu.sem_alloc : memref<!tpu.dma_semaphore, #tpu.memory_space<semaphore_mem>>
      %dma_start3A_97 = arith.constant 0 : i32
      %dma_start3A_98 = tpu.memref_slice %arg7[%run_scoped3A, %dma_start3A_97] : memref<2x128xi32, #tpu.memory_space<vmem>> -> memref<1x128xi32, #tpu.memory_space<vmem>>
      %dma_start3A_99 = tpu.memref_squeeze %dma_start3A_98 : memref<1x128xi32, #tpu.memory_space<vmem>> -> memref<128xi32, #tpu.memory_space<vmem>>
      %dma_start3A_100 = arith.constant 0 : i32
      %dma_start3A_101 = tpu.memref_slice %arg10[%dma_start3A_100] : memref<8192xf32, #tpu.memory_space<vmem_shared>> -> memref<8192xf32, #tpu.memory_space<vmem_shared>>
      tpu.enqueue_indirect_dma source(%arg9 : memref<128xf32, #tpu.memory_space<vmem>>) target(%dma_start3A_101 : memref<8192xf32, #tpu.memory_space<vmem_shared>>) offsets(%dma_start3A_99 : memref<128xi32, #tpu.memory_space<vmem>>) semaphore(%run_scoped3A_96 : memref<!tpu.dma_semaphore, #tpu.memory_space<semaphore_mem>>) {add = true}
      %dma_wait3A_102 = arith.constant 0 : i32
      %dma_wait3A_103 = tpu.memref_slice %arg7[%run_scoped3A, %dma_wait3A_102] : memref<2x128xi32, #tpu.memory_space<vmem>> -> memref<1x128xi32, #tpu.memory_space<vmem>>
      %dma_wait3A_104 = tpu.memref_squeeze %dma_wait3A_103 : memref<1x128xi32, #tpu.memory_space<vmem>> -> memref<128xi32, #tpu.memory_space<vmem>>
      %dma_wait3A_105 = arith.constant 0 : i32
      %dma_wait3A_106 = tpu.memref_slice %arg10[%dma_wait3A_105] : memref<8192xf32, #tpu.memory_space<vmem_shared>> -> memref<8192xf32, #tpu.memory_space<vmem_shared>>
      tpu.wait_indirect_dma semaphore(%run_scoped3A_96 : memref<!tpu.dma_semaphore, #tpu.memory_space<semaphore_mem>>) src(%arg9 : memref<128xf32, #tpu.memory_space<vmem>>) dst(%dma_wait3A_106 : memref<8192xf32, #tpu.memory_space<vmem_shared>>)
      tpu.yield
    }) : () -> ()
    %run_scoped3A_89 = arith.constant 1 : i32
    "tpu.region"() ({
      %run_scoped3A_96 = tpu.sem_alloc : memref<!tpu.dma_semaphore, #tpu.memory_space<semaphore_mem>>
      %dma_start3A_97 = arith.constant 0 : i32
      %dma_start3A_98 = tpu.memref_slice %arg7[%run_scoped3A_89, %dma_start3A_97] : memref<2x128xi32, #tpu.memory_space<vmem>> -> memref<1x128xi32, #tpu.memory_space<vmem>>
      %dma_start3A_99 = tpu.memref_squeeze %dma_start3A_98 : memref<1x128xi32, #tpu.memory_space<vmem>> -> memref<128xi32, #tpu.memory_space<vmem>>
      %dma_start3A_100 = arith.constant 0 : i32
      %dma_start3A_101 = tpu.memref_slice %arg10[%dma_start3A_100] : memref<8192xf32, #tpu.memory_space<vmem_shared>> -> memref<8192xf32, #tpu.memory_space<vmem_shared>>
      tpu.enqueue_indirect_dma source(%arg9 : memref<128xf32, #tpu.memory_space<vmem>>) target(%dma_start3A_101 : memref<8192xf32, #tpu.memory_space<vmem_shared>>) offsets(%dma_start3A_99 : memref<128xi32, #tpu.memory_space<vmem>>) semaphore(%run_scoped3A_96 : memref<!tpu.dma_semaphore, #tpu.memory_space<semaphore_mem>>) {add = true}
      %dma_wait3A_102 = arith.constant 0 : i32
      %dma_wait3A_103 = tpu.memref_slice %arg7[%run_scoped3A_89, %dma_wait3A_102] : memref<2x128xi32, #tpu.memory_space<vmem>> -> memref<1x128xi32, #tpu.memory_space<vmem>>
      %dma_wait3A_104 = tpu.memref_squeeze %dma_wait3A_103 : memref<1x128xi32, #tpu.memory_space<vmem>> -> memref<128xi32, #tpu.memory_space<vmem>>
      %dma_wait3A_105 = arith.constant 0 : i32
      %dma_wait3A_106 = tpu.memref_slice %arg10[%dma_wait3A_105] : memref<8192xf32, #tpu.memory_space<vmem_shared>> -> memref<8192xf32, #tpu.memory_space<vmem_shared>>
      tpu.wait_indirect_dma semaphore(%run_scoped3A_96 : memref<!tpu.dma_semaphore, #tpu.memory_space<semaphore_mem>>) src(%arg9 : memref<128xf32, #tpu.memory_space<vmem>>) dst(%dma_wait3A_106 : memref<8192xf32, #tpu.memory_space<vmem_shared>>)
      tpu.yield
    }) : () -> ()
    %barrier3A_90 = arith.constant 0 : index
    tpu.barrier barrier_id(%barrier3A_90)
    %eq3A_91 = arith.constant 0 : i32
    %eq3A_92 = arith.cmpi eq, %arg1, %eq3A_91 : i32
    %convert_element_type3A_93 = arith.extui %eq3A_92 : i1 to i32
    %cond3A_94 = arith.constant 0 : i32
    %cond3A_95 = arith.cmpi ne, %convert_element_type3A_93, %cond3A_94 : i32
    scf.if %cond3A_95 {
      "tpu.region"() ({
        %run_scoped3A_96 = tpu.sem_alloc : memref<!tpu.dma_semaphore, #tpu.memory_space<semaphore_mem>>
        %dma_start3A_97 = arith.constant 0 : i32
        %dma_start3A_98 = tpu.memref_slice %arg6[%arg0, %dma_start3A_97] : memref<2x8192xf32, #tpu.memory_space<hbm>> -> memref<1x8192xf32, #tpu.memory_space<hbm>>
        %dma_start3A_99 = tpu.memref_squeeze %dma_start3A_98 : memref<1x8192xf32, #tpu.memory_space<hbm>> -> memref<8192xf32, #tpu.memory_space<hbm>>
        tpu.enqueue_dma source(%arg10 : memref<8192xf32, #tpu.memory_space<vmem_shared>>) target(%dma_start3A_99 : memref<8192xf32, #tpu.memory_space<hbm>>) target_semaphore(%run_scoped3A_96 : memref<!tpu.dma_semaphore, #tpu.memory_space<semaphore_mem>>)
        %dma_wait3A_100 = arith.constant 0 : i32
        %dma_wait3A_101 = tpu.memref_slice %arg6[%arg0, %dma_wait3A_100] : memref<2x8192xf32, #tpu.memory_space<hbm>> -> memref<1x8192xf32, #tpu.memory_space<hbm>>
        %dma_wait3A_102 = tpu.memref_squeeze %dma_wait3A_101 : memref<1x8192xf32, #tpu.memory_space<hbm>> -> memref<8192xf32, #tpu.memory_space<hbm>>
        tpu.wait_dma2 semaphore(%run_scoped3A_96 : memref<!tpu.dma_semaphore, #tpu.memory_space<semaphore_mem>>) src(%arg10 : memref<8192xf32, #tpu.memory_space<vmem_shared>>) dst(%dma_wait3A_102 : memref<8192xf32, #tpu.memory_space<hbm>>)
        tpu.yield
      }) : () -> ()
    } else {
    }
    return
  }
}

module attributes {stable_mosaic.version = 14 : i64} {
  func.func @_argmin_body(%arg0: i32, %arg1: memref<1024x64xf32, #tpu.memory_space<vmem>>, %arg2: memref<8192x64xf32, #tpu.memory_space<vmem>>, %arg3: memref<1024x1xi32, #tpu.memory_space<vmem>>, %arg4: memref<1x1xf32, #tpu.memory_space<vmem>>, %arg5: memref<8x1024xf32, #tpu.memory_space<vmem>>, %arg6: memref<1x1xf32, #tpu.memory_space<vmem>>) attributes {dimension_semantics = [#tpu.dimension_semantics<arbitrary>], iteration_bounds = array<i64: 8>, scalar_prefetch = 0 : i64, scratch_operands = 2 : i64, tpu.core_type = #tpu.core_type<tc>, window_params = [{transform_indices = @transform_0, window_bounds = array<i64: 1024, 64>}, {pipeline_mode = #tpu.pipeline_mode<synchronous>, transform_indices = @transform_1, window_bounds = array<i64: 8192, 64>}, {transform_indices = @transform_2, window_bounds = array<i64: 1024, 1>}, {pipeline_mode = #tpu.pipeline_mode<synchronous>, transform_indices = @transform_3, window_bounds = array<i64: 1, 1>}]} {
    %eq3A = arith.constant 0 : i32
    %eq3A_0 = arith.cmpi eq, %arg0, %eq3A : i32
    %convert_element_type3A = arith.extui %eq3A_0 : i1 to i32
    %cond3A = arith.constant 0 : i32
    %cond3A_1 = arith.cmpi ne, %convert_element_type3A, %cond3A : i32
    scf.if %cond3A_1 {
      %broadcast_in_dim3A_256 = arith.constant 0.000000e+00 : f32
      %broadcast_in_dim3A_257 = vector.broadcast %broadcast_in_dim3A_256 : f32 to vector<1x1xf32>
      %swap3A_258 = arith.constant 0 : index
      %swap3A_259 = arith.constant 0 : index
      %swap3A_260 = vector.load %arg6[%swap3A_258, %swap3A_259] : memref<1x1xf32, #tpu.memory_space<vmem>>, vector<1x1xf32>
      tpu.vector_store %arg6[%swap3A_258, %swap3A_259], %broadcast_in_dim3A_257 {strides = array<i32>} : memref<1x1xf32, #tpu.memory_space<vmem>>, vector<1x1xf32>,
      %scan3A = arith.constant 0 : i32
      %scan3A_261 = arith.constant 8 : i32
      %scan3A_262 = arith.addi %scan3A, %scan3A_261 : i32
      %scan3A_263 = arith.constant 1 : i32
      scf.for %scan3A_265 = %scan3A to %scan3A_262 step %scan3A_263  : i32 {
        %mul3A_266 = arith.constant 1024 : i32
        %mul3A_267 = arith.muli %scan3A_265, %mul3A_266 : i32
        %get3A_268 = arith.index_cast %mul3A_267 : i32 to index
        %get3A_269 = arith.constant 0 : index
        %get3A_270 = vector.load %arg2[%get3A_268, %get3A_269] : memref<8192x64xf32, #tpu.memory_space<vmem>>, vector<1024x64xf32>
        %mul3A_271 = arith.mulf %get3A_270, %get3A_270 : vector<1024x64xf32>
        %reduce_sum3A_272 = arith.constant dense<0.000000e+00> : vector<1024xf32>
        %reduce_sum3A_273 = vector.multi_reduction <add>, %mul3A_271, %reduce_sum3A_272 [1] : vector<1024x64xf32> to vector<1024xf32>
        %broadcast_in_dim3A_274 = vector.shape_cast %reduce_sum3A_273 : vector<1024xf32> to vector<1x1024xf32>
        %swap3A_275 = arith.index_cast %scan3A_265 : i32 to index
        %swap3A_276 = arith.constant 0 : index
        %swap3A_277 = vector.load %arg5[%swap3A_275, %swap3A_276] : memref<8x1024xf32, #tpu.memory_space<vmem>>, vector<1x1024xf32>
        tpu.vector_store %arg5[%swap3A_275, %swap3A_276], %broadcast_in_dim3A_274 {strides = array<i32>} : memref<8x1024xf32, #tpu.memory_space<vmem>>, vector<1x1024xf32>,
      }
      %scan3A_264 = arith.constant 8 : i32
    } else {
    }
    %get3A = arith.constant 0 : index
    %get3A_2 = arith.constant 0 : index
    %get3A_3 = vector.load %arg1[%get3A, %get3A_2] : memref<1024x64xf32, #tpu.memory_space<vmem>>, vector<1024x64xf32>
    %mul3A = arith.mulf %get3A_3, %get3A_3 : vector<1024x64xf32>
    %reduce_sum3A = arith.constant dense<0.000000e+00> : vector<1024xf32>
    %reduce_sum3A_4 = vector.multi_reduction <add>, %mul3A, %reduce_sum3A [1] : vector<1024x64xf32> to vector<1024xf32>
    %broadcast_in_dim3A = vector.shape_cast %reduce_sum3A_4 : vector<1024xf32> to vector<1024x1xf32>
    %add3A = arith.addf %get3A_3, %get3A_3 : vector<1024x64xf32>
    %iota3A = tpu.iota {dimensions = array<i32: 1>} : vector<1024x1024xi32>
    %convert_element_type3A_5 = arith.sitofp %iota3A : vector<1024x1024xi32> to vector<1024x1024xf32>
    %broadcast_in_dim3A_6 = arith.constant 0x7F800000 : f32
    %broadcast_in_dim3A_7 = vector.broadcast %broadcast_in_dim3A_6 : f32 to vector<1024x1xf32>
    %broadcast_in_dim3A_8 = arith.constant 0.000000e+00 : f32
    %broadcast_in_dim3A_9 = vector.broadcast %broadcast_in_dim3A_8 : f32 to vector<1024x1xf32>
    %get3A_10 = arith.constant 0 : index
    %get3A_11 = arith.constant 0 : index
    %get3A_12 = vector.load %arg2[%get3A_10, %get3A_11] : memref<8192x64xf32, #tpu.memory_space<vmem>>, vector<1024x64xf32>
    %dot_general3A = arith.constant dense<0.000000e+00> : vector<1024x1024xf32>
    %dot_general3A_13 = tpu.matmul %add3A, %get3A_12, %dot_general3A {dimension_numbers = #tpu.dot_dimension_numbers<[1], [1], [0], [0], [0, 0, 1, 0], [], []>, transpose_lhs_hint = false} : vector<1024x64xf32>, vector<1024x64xf32>, vector<1024x1024xf32> -> vector<1024x1024xf32>
    %get3A_14 = arith.constant 0 : index
    %get3A_15 = arith.constant 0 : index
    %get3A_16 = vector.load %arg5[%get3A_14, %get3A_15] : memref<8x1024xf32, #tpu.memory_space<vmem>>, vector<1x1024xf32>
    %add3A_17 = vector.broadcast %broadcast_in_dim3A : vector<1024x1xf32> to vector<1024x1024xf32>
    %add3A_18 = vector.broadcast %get3A_16 : vector<1x1024xf32> to vector<1024x1024xf32>
    %add3A_19 = arith.addf %add3A_17, %add3A_18 : vector<1024x1024xf32>
    %sub3A = arith.subf %add3A_19, %dot_general3A_13 : vector<1024x1024xf32>
    %reduce_min3A = arith.constant dense<0x7F800000> : vector<1024xf32>
    %reduce_min3A_20 = vector.multi_reduction <minimumf>, %sub3A, %reduce_min3A [1] : vector<1024x1024xf32> to vector<1024xf32>
    %broadcast_in_dim3A_21 = vector.shape_cast %reduce_min3A_20 : vector<1024xf32> to vector<1024x1xf32>
    %eq3A_22 = vector.broadcast %broadcast_in_dim3A_21 : vector<1024x1xf32> to vector<1024x1024xf32>
    %eq3A_23 = arith.cmpf oeq, %sub3A, %eq3A_22 : vector<1024x1024xf32>
    %jit3A = arith.constant 2.048000e+03 : f32
    %broadcast_in_dim3A_24 = vector.broadcast %jit3A : f32 to vector<1024x1024xf32>
    %select_n3A = arith.select %eq3A_23, %convert_element_type3A_5, %broadcast_in_dim3A_24 : vector<1024x1024xi1>, vector<1024x1024xf32>
    %reduce_min3A_25 = arith.constant dense<0x7F800000> : vector<1024xf32>
    %reduce_min3A_26 = vector.multi_reduction <minimumf>, %select_n3A, %reduce_min3A_25 [1] : vector<1024x1024xf32> to vector<1024xf32>
    %broadcast_in_dim3A_27 = vector.shape_cast %reduce_min3A_26 : vector<1024xf32> to vector<1024x1xf32>
    %add3A_28 = arith.constant 0.000000e+00 : f32
    %add3A_29 = vector.broadcast %add3A_28 : f32 to vector<1024x1xf32>
    %add3A_30 = arith.addf %broadcast_in_dim3A_27, %add3A_29 : vector<1024x1xf32>
    %lt3A = arith.cmpf olt, %broadcast_in_dim3A_21, %broadcast_in_dim3A_7 : vector<1024x1xf32>
    %select_n3A_31 = arith.select %lt3A, %broadcast_in_dim3A_21, %broadcast_in_dim3A_7 : vector<1024x1xi1>, vector<1024x1xf32>
    %select_n3A_32 = arith.select %lt3A, %add3A_30, %broadcast_in_dim3A_9 : vector<1024x1xi1>, vector<1024x1xf32>
    %get3A_33 = arith.constant 1024 : index
    %get3A_34 = arith.constant 0 : index
    %get3A_35 = vector.load %arg2[%get3A_33, %get3A_34] : memref<8192x64xf32, #tpu.memory_space<vmem>>, vector<1024x64xf32>
    %dot_general3A_36 = arith.constant dense<0.000000e+00> : vector<1024x1024xf32>
    %dot_general3A_37 = tpu.matmul %add3A, %get3A_35, %dot_general3A_36 {dimension_numbers = #tpu.dot_dimension_numbers<[1], [1], [0], [0], [0, 0, 1, 0], [], []>, transpose_lhs_hint = false} : vector<1024x64xf32>, vector<1024x64xf32>, vector<1024x1024xf32> -> vector<1024x1024xf32>
    %get3A_38 = arith.constant 1 : index
    %get3A_39 = arith.constant 0 : index
    %get3A_40 = vector.load %arg5[%get3A_38, %get3A_39] : memref<8x1024xf32, #tpu.memory_space<vmem>>, vector<1x1024xf32>
    %add3A_41 = vector.broadcast %broadcast_in_dim3A : vector<1024x1xf32> to vector<1024x1024xf32>
    %add3A_42 = vector.broadcast %get3A_40 : vector<1x1024xf32> to vector<1024x1024xf32>
    %add3A_43 = arith.addf %add3A_41, %add3A_42 : vector<1024x1024xf32>
    %sub3A_44 = arith.subf %add3A_43, %dot_general3A_37 : vector<1024x1024xf32>
    %reduce_min3A_45 = arith.constant dense<0x7F800000> : vector<1024xf32>
    %reduce_min3A_46 = vector.multi_reduction <minimumf>, %sub3A_44, %reduce_min3A_45 [1] : vector<1024x1024xf32> to vector<1024xf32>
    %broadcast_in_dim3A_47 = vector.shape_cast %reduce_min3A_46 : vector<1024xf32> to vector<1024x1xf32>
    %eq3A_48 = vector.broadcast %broadcast_in_dim3A_47 : vector<1024x1xf32> to vector<1024x1024xf32>
    %eq3A_49 = arith.cmpf oeq, %sub3A_44, %eq3A_48 : vector<1024x1024xf32>
    %jit3A_50 = arith.constant 2.048000e+03 : f32
    %broadcast_in_dim3A_51 = vector.broadcast %jit3A_50 : f32 to vector<1024x1024xf32>
    %select_n3A_52 = arith.select %eq3A_49, %convert_element_type3A_5, %broadcast_in_dim3A_51 : vector<1024x1024xi1>, vector<1024x1024xf32>
    %reduce_min3A_53 = arith.constant dense<0x7F800000> : vector<1024xf32>
    %reduce_min3A_54 = vector.multi_reduction <minimumf>, %select_n3A_52, %reduce_min3A_53 [1] : vector<1024x1024xf32> to vector<1024xf32>
    %broadcast_in_dim3A_55 = vector.shape_cast %reduce_min3A_54 : vector<1024xf32> to vector<1024x1xf32>
    %add3A_56 = arith.constant 1.024000e+03 : f32
    %add3A_57 = vector.broadcast %add3A_56 : f32 to vector<1024x1xf32>
    %add3A_58 = arith.addf %broadcast_in_dim3A_55, %add3A_57 : vector<1024x1xf32>
    %lt3A_59 = arith.cmpf olt, %broadcast_in_dim3A_47, %select_n3A_31 : vector<1024x1xf32>
    %select_n3A_60 = arith.select %lt3A_59, %broadcast_in_dim3A_47, %select_n3A_31 : vector<1024x1xi1>, vector<1024x1xf32>
    %select_n3A_61 = arith.select %lt3A_59, %add3A_58, %select_n3A_32 : vector<1024x1xi1>, vector<1024x1xf32>
    %get3A_62 = arith.constant 2048 : index
    %get3A_63 = arith.constant 0 : index
    %get3A_64 = vector.load %arg2[%get3A_62, %get3A_63] : memref<8192x64xf32, #tpu.memory_space<vmem>>, vector<1024x64xf32>
    %dot_general3A_65 = arith.constant dense<0.000000e+00> : vector<1024x1024xf32>
    %dot_general3A_66 = tpu.matmul %add3A, %get3A_64, %dot_general3A_65 {dimension_numbers = #tpu.dot_dimension_numbers<[1], [1], [0], [0], [0, 0, 1, 0], [], []>, transpose_lhs_hint = false} : vector<1024x64xf32>, vector<1024x64xf32>, vector<1024x1024xf32> -> vector<1024x1024xf32>
    %get3A_67 = arith.constant 2 : index
    %get3A_68 = arith.constant 0 : index
    %get3A_69 = vector.load %arg5[%get3A_67, %get3A_68] : memref<8x1024xf32, #tpu.memory_space<vmem>>, vector<1x1024xf32>
    %add3A_70 = vector.broadcast %broadcast_in_dim3A : vector<1024x1xf32> to vector<1024x1024xf32>
    %add3A_71 = vector.broadcast %get3A_69 : vector<1x1024xf32> to vector<1024x1024xf32>
    %add3A_72 = arith.addf %add3A_70, %add3A_71 : vector<1024x1024xf32>
    %sub3A_73 = arith.subf %add3A_72, %dot_general3A_66 : vector<1024x1024xf32>
    %reduce_min3A_74 = arith.constant dense<0x7F800000> : vector<1024xf32>
    %reduce_min3A_75 = vector.multi_reduction <minimumf>, %sub3A_73, %reduce_min3A_74 [1] : vector<1024x1024xf32> to vector<1024xf32>
    %broadcast_in_dim3A_76 = vector.shape_cast %reduce_min3A_75 : vector<1024xf32> to vector<1024x1xf32>
    %eq3A_77 = vector.broadcast %broadcast_in_dim3A_76 : vector<1024x1xf32> to vector<1024x1024xf32>
    %eq3A_78 = arith.cmpf oeq, %sub3A_73, %eq3A_77 : vector<1024x1024xf32>
    %jit3A_79 = arith.constant 2.048000e+03 : f32
    %broadcast_in_dim3A_80 = vector.broadcast %jit3A_79 : f32 to vector<1024x1024xf32>
    %select_n3A_81 = arith.select %eq3A_78, %convert_element_type3A_5, %broadcast_in_dim3A_80 : vector<1024x1024xi1>, vector<1024x1024xf32>
    %reduce_min3A_82 = arith.constant dense<0x7F800000> : vector<1024xf32>
    %reduce_min3A_83 = vector.multi_reduction <minimumf>, %select_n3A_81, %reduce_min3A_82 [1] : vector<1024x1024xf32> to vector<1024xf32>
    %broadcast_in_dim3A_84 = vector.shape_cast %reduce_min3A_83 : vector<1024xf32> to vector<1024x1xf32>
    %add3A_85 = arith.constant 2.048000e+03 : f32
    %add3A_86 = vector.broadcast %add3A_85 : f32 to vector<1024x1xf32>
    %add3A_87 = arith.addf %broadcast_in_dim3A_84, %add3A_86 : vector<1024x1xf32>
    %lt3A_88 = arith.cmpf olt, %broadcast_in_dim3A_76, %select_n3A_60 : vector<1024x1xf32>
    %select_n3A_89 = arith.select %lt3A_88, %broadcast_in_dim3A_76, %select_n3A_60 : vector<1024x1xi1>, vector<1024x1xf32>
    %select_n3A_90 = arith.select %lt3A_88, %add3A_87, %select_n3A_61 : vector<1024x1xi1>, vector<1024x1xf32>
    %get3A_91 = arith.constant 3072 : index
    %get3A_92 = arith.constant 0 : index
    %get3A_93 = vector.load %arg2[%get3A_91, %get3A_92] : memref<8192x64xf32, #tpu.memory_space<vmem>>, vector<1024x64xf32>
    %dot_general3A_94 = arith.constant dense<0.000000e+00> : vector<1024x1024xf32>
    %dot_general3A_95 = tpu.matmul %add3A, %get3A_93, %dot_general3A_94 {dimension_numbers = #tpu.dot_dimension_numbers<[1], [1], [0], [0], [0, 0, 1, 0], [], []>, transpose_lhs_hint = false} : vector<1024x64xf32>, vector<1024x64xf32>, vector<1024x1024xf32> -> vector<1024x1024xf32>
    %get3A_96 = arith.constant 3 : index
    %get3A_97 = arith.constant 0 : index
    %get3A_98 = vector.load %arg5[%get3A_96, %get3A_97] : memref<8x1024xf32, #tpu.memory_space<vmem>>, vector<1x1024xf32>
    %add3A_99 = vector.broadcast %broadcast_in_dim3A : vector<1024x1xf32> to vector<1024x1024xf32>
    %add3A_100 = vector.broadcast %get3A_98 : vector<1x1024xf32> to vector<1024x1024xf32>
    %add3A_101 = arith.addf %add3A_99, %add3A_100 : vector<1024x1024xf32>
    %sub3A_102 = arith.subf %add3A_101, %dot_general3A_95 : vector<1024x1024xf32>
    %reduce_min3A_103 = arith.constant dense<0x7F800000> : vector<1024xf32>
    %reduce_min3A_104 = vector.multi_reduction <minimumf>, %sub3A_102, %reduce_min3A_103 [1] : vector<1024x1024xf32> to vector<1024xf32>
    %broadcast_in_dim3A_105 = vector.shape_cast %reduce_min3A_104 : vector<1024xf32> to vector<1024x1xf32>
    %eq3A_106 = vector.broadcast %broadcast_in_dim3A_105 : vector<1024x1xf32> to vector<1024x1024xf32>
    %eq3A_107 = arith.cmpf oeq, %sub3A_102, %eq3A_106 : vector<1024x1024xf32>
    %jit3A_108 = arith.constant 2.048000e+03 : f32
    %broadcast_in_dim3A_109 = vector.broadcast %jit3A_108 : f32 to vector<1024x1024xf32>
    %select_n3A_110 = arith.select %eq3A_107, %convert_element_type3A_5, %broadcast_in_dim3A_109 : vector<1024x1024xi1>, vector<1024x1024xf32>
    %reduce_min3A_111 = arith.constant dense<0x7F800000> : vector<1024xf32>
    %reduce_min3A_112 = vector.multi_reduction <minimumf>, %select_n3A_110, %reduce_min3A_111 [1] : vector<1024x1024xf32> to vector<1024xf32>
    %broadcast_in_dim3A_113 = vector.shape_cast %reduce_min3A_112 : vector<1024xf32> to vector<1024x1xf32>
    %add3A_114 = arith.constant 3.072000e+03 : f32
    %add3A_115 = vector.broadcast %add3A_114 : f32 to vector<1024x1xf32>
    %add3A_116 = arith.addf %broadcast_in_dim3A_113, %add3A_115 : vector<1024x1xf32>
    %lt3A_117 = arith.cmpf olt, %broadcast_in_dim3A_105, %select_n3A_89 : vector<1024x1xf32>
    %select_n3A_118 = arith.select %lt3A_117, %broadcast_in_dim3A_105, %select_n3A_89 : vector<1024x1xi1>, vector<1024x1xf32>
    %select_n3A_119 = arith.select %lt3A_117, %add3A_116, %select_n3A_90 : vector<1024x1xi1>, vector<1024x1xf32>
    %get3A_120 = arith.constant 4096 : index
    %get3A_121 = arith.constant 0 : index
    %get3A_122 = vector.load %arg2[%get3A_120, %get3A_121] : memref<8192x64xf32, #tpu.memory_space<vmem>>, vector<1024x64xf32>
    %dot_general3A_123 = arith.constant dense<0.000000e+00> : vector<1024x1024xf32>
    %dot_general3A_124 = tpu.matmul %add3A, %get3A_122, %dot_general3A_123 {dimension_numbers = #tpu.dot_dimension_numbers<[1], [1], [0], [0], [0, 0, 1, 0], [], []>, transpose_lhs_hint = false} : vector<1024x64xf32>, vector<1024x64xf32>, vector<1024x1024xf32> -> vector<1024x1024xf32>
    %get3A_125 = arith.constant 4 : index
    %get3A_126 = arith.constant 0 : index
    %get3A_127 = vector.load %arg5[%get3A_125, %get3A_126] : memref<8x1024xf32, #tpu.memory_space<vmem>>, vector<1x1024xf32>
    %add3A_128 = vector.broadcast %broadcast_in_dim3A : vector<1024x1xf32> to vector<1024x1024xf32>
    %add3A_129 = vector.broadcast %get3A_127 : vector<1x1024xf32> to vector<1024x1024xf32>
    %add3A_130 = arith.addf %add3A_128, %add3A_129 : vector<1024x1024xf32>
    %sub3A_131 = arith.subf %add3A_130, %dot_general3A_124 : vector<1024x1024xf32>
    %reduce_min3A_132 = arith.constant dense<0x7F800000> : vector<1024xf32>
    %reduce_min3A_133 = vector.multi_reduction <minimumf>, %sub3A_131, %reduce_min3A_132 [1] : vector<1024x1024xf32> to vector<1024xf32>
    %broadcast_in_dim3A_134 = vector.shape_cast %reduce_min3A_133 : vector<1024xf32> to vector<1024x1xf32>
    %eq3A_135 = vector.broadcast %broadcast_in_dim3A_134 : vector<1024x1xf32> to vector<1024x1024xf32>
    %eq3A_136 = arith.cmpf oeq, %sub3A_131, %eq3A_135 : vector<1024x1024xf32>
    %jit3A_137 = arith.constant 2.048000e+03 : f32
    %broadcast_in_dim3A_138 = vector.broadcast %jit3A_137 : f32 to vector<1024x1024xf32>
    %select_n3A_139 = arith.select %eq3A_136, %convert_element_type3A_5, %broadcast_in_dim3A_138 : vector<1024x1024xi1>, vector<1024x1024xf32>
    %reduce_min3A_140 = arith.constant dense<0x7F800000> : vector<1024xf32>
    %reduce_min3A_141 = vector.multi_reduction <minimumf>, %select_n3A_139, %reduce_min3A_140 [1] : vector<1024x1024xf32> to vector<1024xf32>
    %broadcast_in_dim3A_142 = vector.shape_cast %reduce_min3A_141 : vector<1024xf32> to vector<1024x1xf32>
    %add3A_143 = arith.constant 4.096000e+03 : f32
    %add3A_144 = vector.broadcast %add3A_143 : f32 to vector<1024x1xf32>
    %add3A_145 = arith.addf %broadcast_in_dim3A_142, %add3A_144 : vector<1024x1xf32>
    %lt3A_146 = arith.cmpf olt, %broadcast_in_dim3A_134, %select_n3A_118 : vector<1024x1xf32>
    %select_n3A_147 = arith.select %lt3A_146, %broadcast_in_dim3A_134, %select_n3A_118 : vector<1024x1xi1>, vector<1024x1xf32>
    %select_n3A_148 = arith.select %lt3A_146, %add3A_145, %select_n3A_119 : vector<1024x1xi1>, vector<1024x1xf32>
    %get3A_149 = arith.constant 5120 : index
    %get3A_150 = arith.constant 0 : index
    %get3A_151 = vector.load %arg2[%get3A_149, %get3A_150] : memref<8192x64xf32, #tpu.memory_space<vmem>>, vector<1024x64xf32>
    %dot_general3A_152 = arith.constant dense<0.000000e+00> : vector<1024x1024xf32>
    %dot_general3A_153 = tpu.matmul %add3A, %get3A_151, %dot_general3A_152 {dimension_numbers = #tpu.dot_dimension_numbers<[1], [1], [0], [0], [0, 0, 1, 0], [], []>, transpose_lhs_hint = false} : vector<1024x64xf32>, vector<1024x64xf32>, vector<1024x1024xf32> -> vector<1024x1024xf32>
    %get3A_154 = arith.constant 5 : index
    %get3A_155 = arith.constant 0 : index
    %get3A_156 = vector.load %arg5[%get3A_154, %get3A_155] : memref<8x1024xf32, #tpu.memory_space<vmem>>, vector<1x1024xf32>
    %add3A_157 = vector.broadcast %broadcast_in_dim3A : vector<1024x1xf32> to vector<1024x1024xf32>
    %add3A_158 = vector.broadcast %get3A_156 : vector<1x1024xf32> to vector<1024x1024xf32>
    %add3A_159 = arith.addf %add3A_157, %add3A_158 : vector<1024x1024xf32>
    %sub3A_160 = arith.subf %add3A_159, %dot_general3A_153 : vector<1024x1024xf32>
    %reduce_min3A_161 = arith.constant dense<0x7F800000> : vector<1024xf32>
    %reduce_min3A_162 = vector.multi_reduction <minimumf>, %sub3A_160, %reduce_min3A_161 [1] : vector<1024x1024xf32> to vector<1024xf32>
    %broadcast_in_dim3A_163 = vector.shape_cast %reduce_min3A_162 : vector<1024xf32> to vector<1024x1xf32>
    %eq3A_164 = vector.broadcast %broadcast_in_dim3A_163 : vector<1024x1xf32> to vector<1024x1024xf32>
    %eq3A_165 = arith.cmpf oeq, %sub3A_160, %eq3A_164 : vector<1024x1024xf32>
    %jit3A_166 = arith.constant 2.048000e+03 : f32
    %broadcast_in_dim3A_167 = vector.broadcast %jit3A_166 : f32 to vector<1024x1024xf32>
    %select_n3A_168 = arith.select %eq3A_165, %convert_element_type3A_5, %broadcast_in_dim3A_167 : vector<1024x1024xi1>, vector<1024x1024xf32>
    %reduce_min3A_169 = arith.constant dense<0x7F800000> : vector<1024xf32>
    %reduce_min3A_170 = vector.multi_reduction <minimumf>, %select_n3A_168, %reduce_min3A_169 [1] : vector<1024x1024xf32> to vector<1024xf32>
    %broadcast_in_dim3A_171 = vector.shape_cast %reduce_min3A_170 : vector<1024xf32> to vector<1024x1xf32>
    %add3A_172 = arith.constant 5.120000e+03 : f32
    %add3A_173 = vector.broadcast %add3A_172 : f32 to vector<1024x1xf32>
    %add3A_174 = arith.addf %broadcast_in_dim3A_171, %add3A_173 : vector<1024x1xf32>
    %lt3A_175 = arith.cmpf olt, %broadcast_in_dim3A_163, %select_n3A_147 : vector<1024x1xf32>
    %select_n3A_176 = arith.select %lt3A_175, %broadcast_in_dim3A_163, %select_n3A_147 : vector<1024x1xi1>, vector<1024x1xf32>
    %select_n3A_177 = arith.select %lt3A_175, %add3A_174, %select_n3A_148 : vector<1024x1xi1>, vector<1024x1xf32>
    %get3A_178 = arith.constant 6144 : index
    %get3A_179 = arith.constant 0 : index
    %get3A_180 = vector.load %arg2[%get3A_178, %get3A_179] : memref<8192x64xf32, #tpu.memory_space<vmem>>, vector<1024x64xf32>
    %dot_general3A_181 = arith.constant dense<0.000000e+00> : vector<1024x1024xf32>
    %dot_general3A_182 = tpu.matmul %add3A, %get3A_180, %dot_general3A_181 {dimension_numbers = #tpu.dot_dimension_numbers<[1], [1], [0], [0], [0, 0, 1, 0], [], []>, transpose_lhs_hint = false} : vector<1024x64xf32>, vector<1024x64xf32>, vector<1024x1024xf32> -> vector<1024x1024xf32>
    %get3A_183 = arith.constant 6 : index
    %get3A_184 = arith.constant 0 : index
    %get3A_185 = vector.load %arg5[%get3A_183, %get3A_184] : memref<8x1024xf32, #tpu.memory_space<vmem>>, vector<1x1024xf32>
    %add3A_186 = vector.broadcast %broadcast_in_dim3A : vector<1024x1xf32> to vector<1024x1024xf32>
    %add3A_187 = vector.broadcast %get3A_185 : vector<1x1024xf32> to vector<1024x1024xf32>
    %add3A_188 = arith.addf %add3A_186, %add3A_187 : vector<1024x1024xf32>
    %sub3A_189 = arith.subf %add3A_188, %dot_general3A_182 : vector<1024x1024xf32>
    %reduce_min3A_190 = arith.constant dense<0x7F800000> : vector<1024xf32>
    %reduce_min3A_191 = vector.multi_reduction <minimumf>, %sub3A_189, %reduce_min3A_190 [1] : vector<1024x1024xf32> to vector<1024xf32>
    %broadcast_in_dim3A_192 = vector.shape_cast %reduce_min3A_191 : vector<1024xf32> to vector<1024x1xf32>
    %eq3A_193 = vector.broadcast %broadcast_in_dim3A_192 : vector<1024x1xf32> to vector<1024x1024xf32>
    %eq3A_194 = arith.cmpf oeq, %sub3A_189, %eq3A_193 : vector<1024x1024xf32>
    %jit3A_195 = arith.constant 2.048000e+03 : f32
    %broadcast_in_dim3A_196 = vector.broadcast %jit3A_195 : f32 to vector<1024x1024xf32>
    %select_n3A_197 = arith.select %eq3A_194, %convert_element_type3A_5, %broadcast_in_dim3A_196 : vector<1024x1024xi1>, vector<1024x1024xf32>
    %reduce_min3A_198 = arith.constant dense<0x7F800000> : vector<1024xf32>
    %reduce_min3A_199 = vector.multi_reduction <minimumf>, %select_n3A_197, %reduce_min3A_198 [1] : vector<1024x1024xf32> to vector<1024xf32>
    %broadcast_in_dim3A_200 = vector.shape_cast %reduce_min3A_199 : vector<1024xf32> to vector<1024x1xf32>
    %add3A_201 = arith.constant 6.144000e+03 : f32
    %add3A_202 = vector.broadcast %add3A_201 : f32 to vector<1024x1xf32>
    %add3A_203 = arith.addf %broadcast_in_dim3A_200, %add3A_202 : vector<1024x1xf32>
    %lt3A_204 = arith.cmpf olt, %broadcast_in_dim3A_192, %select_n3A_176 : vector<1024x1xf32>
    %select_n3A_205 = arith.select %lt3A_204, %broadcast_in_dim3A_192, %select_n3A_176 : vector<1024x1xi1>, vector<1024x1xf32>
    %select_n3A_206 = arith.select %lt3A_204, %add3A_203, %select_n3A_177 : vector<1024x1xi1>, vector<1024x1xf32>
    %get3A_207 = arith.constant 7168 : index
    %get3A_208 = arith.constant 0 : index
    %get3A_209 = vector.load %arg2[%get3A_207, %get3A_208] : memref<8192x64xf32, #tpu.memory_space<vmem>>, vector<1024x64xf32>
    %dot_general3A_210 = arith.constant dense<0.000000e+00> : vector<1024x1024xf32>
    %dot_general3A_211 = tpu.matmul %add3A, %get3A_209, %dot_general3A_210 {dimension_numbers = #tpu.dot_dimension_numbers<[1], [1], [0], [0], [0, 0, 1, 0], [], []>, transpose_lhs_hint = false} : vector<1024x64xf32>, vector<1024x64xf32>, vector<1024x1024xf32> -> vector<1024x1024xf32>
    %get3A_212 = arith.constant 7 : index
    %get3A_213 = arith.constant 0 : index
    %get3A_214 = vector.load %arg5[%get3A_212, %get3A_213] : memref<8x1024xf32, #tpu.memory_space<vmem>>, vector<1x1024xf32>
    %add3A_215 = vector.broadcast %broadcast_in_dim3A : vector<1024x1xf32> to vector<1024x1024xf32>
    %add3A_216 = vector.broadcast %get3A_214 : vector<1x1024xf32> to vector<1024x1024xf32>
    %add3A_217 = arith.addf %add3A_215, %add3A_216 : vector<1024x1024xf32>
    %sub3A_218 = arith.subf %add3A_217, %dot_general3A_211 : vector<1024x1024xf32>
    %reduce_min3A_219 = arith.constant dense<0x7F800000> : vector<1024xf32>
    %reduce_min3A_220 = vector.multi_reduction <minimumf>, %sub3A_218, %reduce_min3A_219 [1] : vector<1024x1024xf32> to vector<1024xf32>
    %broadcast_in_dim3A_221 = vector.shape_cast %reduce_min3A_220 : vector<1024xf32> to vector<1024x1xf32>
    %eq3A_222 = vector.broadcast %broadcast_in_dim3A_221 : vector<1024x1xf32> to vector<1024x1024xf32>
    %eq3A_223 = arith.cmpf oeq, %sub3A_218, %eq3A_222 : vector<1024x1024xf32>
    %jit3A_224 = arith.constant 2.048000e+03 : f32
    %broadcast_in_dim3A_225 = vector.broadcast %jit3A_224 : f32 to vector<1024x1024xf32>
    %select_n3A_226 = arith.select %eq3A_223, %convert_element_type3A_5, %broadcast_in_dim3A_225 : vector<1024x1024xi1>, vector<1024x1024xf32>
    %reduce_min3A_227 = arith.constant dense<0x7F800000> : vector<1024xf32>
    %reduce_min3A_228 = vector.multi_reduction <minimumf>, %select_n3A_226, %reduce_min3A_227 [1] : vector<1024x1024xf32> to vector<1024xf32>
    %broadcast_in_dim3A_229 = vector.shape_cast %reduce_min3A_228 : vector<1024xf32> to vector<1024x1xf32>
    %add3A_230 = arith.constant 7.168000e+03 : f32
    %add3A_231 = vector.broadcast %add3A_230 : f32 to vector<1024x1xf32>
    %add3A_232 = arith.addf %broadcast_in_dim3A_229, %add3A_231 : vector<1024x1xf32>
    %lt3A_233 = arith.cmpf olt, %broadcast_in_dim3A_221, %select_n3A_205 : vector<1024x1xf32>
    %select_n3A_234 = arith.select %lt3A_233, %broadcast_in_dim3A_221, %select_n3A_205 : vector<1024x1xi1>, vector<1024x1xf32>
    %select_n3A_235 = arith.select %lt3A_233, %add3A_232, %select_n3A_206 : vector<1024x1xi1>, vector<1024x1xf32>
    %convert_element_type3A_236 = arith.fptosi %select_n3A_235 : vector<1024x1xf32> to vector<1024x1xi32>
    %swap3A = arith.constant 0 : index
    %swap3A_237 = arith.constant 0 : index
    %swap3A_238 = vector.load %arg3[%swap3A, %swap3A_237] : memref<1024x1xi32, #tpu.memory_space<vmem>>, vector<1024x1xi32>
    tpu.vector_store %arg3[%swap3A, %swap3A_237], %convert_element_type3A_236 {strides = array<i32>} : memref<1024x1xi32, #tpu.memory_space<vmem>>, vector<1024x1xi32>,
    %get3A_239 = arith.constant 0 : index
    %get3A_240 = arith.constant 0 : index
    %get3A_241 = vector.load %arg6[%get3A_239, %get3A_240] : memref<1x1xf32, #tpu.memory_space<vmem>>, vector<1x1xf32>
    %reduce_sum3A_242 = vector.shape_cast %select_n3A_234 : vector<1024x1xf32> to vector<1x1024x1xf32>
    %reduce_sum3A_243 = arith.constant dense<0.000000e+00> : vector<1xf32>
    %reduce_sum3A_244 = vector.multi_reduction <add>, %reduce_sum3A_242, %reduce_sum3A_243 [1, 2] : vector<1x1024x1xf32> to vector<1xf32>
    %reduce_sum3A_245 = vector.shape_cast %reduce_sum3A_244 : vector<1xf32> to vector<1x1x1xf32>
    %reduce_sum3A_246 = vector.extract %reduce_sum3A_245[0, 0, 0] : f32 from vector<1x1x1xf32>
    %reshape3A = vector.broadcast %reduce_sum3A_246 : f32 to vector<1x1xf32>
    %add3A_247 = arith.addf %get3A_241, %reshape3A : vector<1x1xf32>
    %swap3A_248 = arith.constant 0 : index
    %swap3A_249 = arith.constant 0 : index
    %swap3A_250 = vector.load %arg6[%swap3A_248, %swap3A_249] : memref<1x1xf32, #tpu.memory_space<vmem>>, vector<1x1xf32>
    tpu.vector_store %arg6[%swap3A_248, %swap3A_249], %add3A_247 {strides = array<i32>} : memref<1x1xf32, #tpu.memory_space<vmem>>, vector<1x1xf32>,
    %eq3A_251 = arith.constant 7 : i32
    %eq3A_252 = arith.cmpi eq, %arg0, %eq3A_251 : i32
    %convert_element_type3A_253 = arith.extui %eq3A_252 : i1 to i32
    %cond3A_254 = arith.constant 0 : i32
    %cond3A_255 = arith.cmpi ne, %convert_element_type3A_253, %cond3A_254 : i32
    scf.if %cond3A_255 {
      %get3A_256 = arith.constant 0 : index
      %get3A_257 = arith.constant 0 : index
      %get3A_258 = vector.load %arg6[%get3A_256, %get3A_257] : memref<1x1xf32, #tpu.memory_space<vmem>>, vector<1x1xf32>
      %mul3A_259 = arith.constant 2.500000e-01 : f32
      %mul3A_260 = vector.broadcast %mul3A_259 : f32 to vector<1x1xf32>
      %mul3A_261 = arith.mulf %mul3A_260, %get3A_258 : vector<1x1xf32>
      %div3A = arith.constant 5.242880e+05 : f32
      %div3A_262 = vector.broadcast %div3A : f32 to vector<1x1xf32>
      %div3A_263 = arith.divf %mul3A_261, %div3A_262 : vector<1x1xf32>
      %swap3A_264 = arith.constant 0 : index
      %swap3A_265 = arith.constant 0 : index
      %swap3A_266 = vector.load %arg4[%swap3A_264, %swap3A_265] : memref<1x1xf32, #tpu.memory_space<vmem>>, vector<1x1xf32>
      tpu.vector_store %arg4[%swap3A_264, %swap3A_265], %div3A_263 {strides = array<i32>} : memref<1x1xf32, #tpu.memory_space<vmem>>, vector<1x1xf32>,
    } else {
    }
    return
  }
  func.func @transform_0(%arg0: i32) -> (i32, i32) {
    %c0_i32 = arith.constant 0 : i32
    %c0_i32_0 = arith.constant 0 : i32
    return %arg0, %c0_i32 : i32, i32
  }
  func.func @transform_1(%arg0: i32) -> (i32, i32) {
    %c0_i32 = arith.constant 0 : i32
    %c0_i32_0 = arith.constant 0 : i32
    %c0_i32_1 = arith.constant 0 : i32
    return %c0_i32, %c0_i32_0 : i32, i32
  }
  func.func @transform_2(%arg0: i32) -> (i32, i32) {
    %c0_i32 = arith.constant 0 : i32
    %c0_i32_0 = arith.constant 0 : i32
    return %arg0, %c0_i32 : i32, i32
  }
  func.func @transform_3(%arg0: i32) -> (i32, i32) {
    %c0_i32 = arith.constant 0 : i32
    %c0_i32_0 = arith.constant 0 : i32
    %c0_i32_1 = arith.constant 0 : i32
    return %c0_i32, %c0_i32_0 : i32, i32
  }
}

module attributes {stable_mosaic.version = 14 : i64} {
  func.func @_scalars_body(%arg0: memref<2x8192xf32, #tpu.memory_space<vmem>>, %arg1: memref<1x1xf32, #tpu.memory_space<vmem>>) attributes {dimension_semantics = [], scalar_prefetch = 0 : i64, scratch_operands = 0 : i64, tpu.core_type = #tpu.core_type<tc>} {
    %get3A = arith.constant 0 : index
    %get3A_0 = arith.constant 0 : index
    %get3A_1 = vector.load %arg0[%get3A, %get3A_0] : memref<2x8192xf32, #tpu.memory_space<vmem>>, vector<2x8192xf32>
    %reduce_sum3A = arith.constant dense<0.000000e+00> : vector<8192xf32>
    %reduce_sum3A_2 = vector.multi_reduction <add>, %get3A_1, %reduce_sum3A [0] : vector<2x8192xf32> to vector<8192xf32>
    %broadcast_in_dim3A = vector.shape_cast %reduce_sum3A_2 : vector<8192xf32> to vector<1x8192xf32>
    %div3A = arith.constant 8.192000e+03 : f32
    %div3A_3 = vector.broadcast %div3A : f32 to vector<1x8192xf32>
    %div3A_4 = arith.divf %broadcast_in_dim3A, %div3A_3 : vector<1x8192xf32>
    %add3A = arith.constant 1.000000e-10 : f32
    %add3A_5 = vector.broadcast %add3A : f32 to vector<1x8192xf32>
    %add3A_6 = arith.addf %div3A_4, %add3A_5 : vector<1x8192xf32>
    %log3A = math.log %add3A_6 : vector<1x8192xf32>
    %mul3A = arith.mulf %div3A_4, %log3A : vector<1x8192xf32>
    %reduce_sum3A_7 = vector.shape_cast %mul3A : vector<1x8192xf32> to vector<1x1x8192xf32>
    %reduce_sum3A_8 = arith.constant dense<0.000000e+00> : vector<1xf32>
    %reduce_sum3A_9 = vector.multi_reduction <add>, %reduce_sum3A_7, %reduce_sum3A_8 [1, 2] : vector<1x1x8192xf32> to vector<1xf32>
    %reduce_sum3A_10 = vector.shape_cast %reduce_sum3A_9 : vector<1xf32> to vector<1x1x1xf32>
    %reduce_sum3A_11 = vector.extract %reduce_sum3A_10[0, 0, 0] : f32 from vector<1x1x1xf32>
    %neg3A = arith.constant 0.000000e+00 : f32
    %neg3A_12 = arith.subf %neg3A, %reduce_sum3A_11 : f32
    %exp3A = math.exp %neg3A_12 : f32
    %reshape3A = vector.broadcast %exp3A : f32 to vector<1x1xf32>
    %swap3A = arith.constant 0 : index
    %swap3A_13 = arith.constant 0 : index
    %swap3A_14 = vector.load %arg1[%swap3A, %swap3A_13] : memref<1x1xf32, #tpu.memory_space<vmem>>, vector<1x1xf32>
    tpu.vector_store %arg1[%swap3A, %swap3A_13], %reshape3A {strides = array<i32>} : memref<1x1xf32, #tpu.memory_space<vmem>>, vector<1x1xf32>,
    return
  }
}

</mosaic_0001>

<sc_bundles>
// kernel: kernel.5.cloned.1.call-start
scs
__scs_entry_jumppad:
0x0: {  	(pc) =	sbr.rel $0x88, $3  }
0x1: {  	(tag) =	ssettag $0x0;
	lr =	simm.s32 $0x1  }
0x2: {  	[smem:$0x3F9F] =	sst lr;
	_ =	strace $0xD0000000  }
0x3: {  	_ = 	snop  }
0x4: {  	_ = 	snop  }
0x5: {  	_ = 	snop  }
0x6: {  	_ = 	snop  }
0x7: {  	_ = 	snop  }
__scs_overlays_trampoline_lowered:
0x8: {  	[smem:$0x3FAE] =	sst s0  }
0x9: {  	[smem:$0x3FAF] =	sst s1  }
0xa: {  	[smem:$0x3FB0] =	sst s2  }
0xb: {  	[smem:$0x3FB1] =	sst s3  }
0xc: {  	[smem:$0x3FB2] =	sst s4  }
0xd: {  	[smem:$0x3FB3] =	sst s5  }
0xe: {  	[smem:$0x3FB4] =	sst s6  }
0xf: {  	[smem:$0x3FB5] =	sst s7  }
0x10: {  	[smem:$0x3FB6] =	sst s8  }
0x11: {  	[smem:$0x3FB7] =	sst s9;
	s0 =	simm.s32 @!p0 $0x0  }
0x12: {  	s1 =	sld [smem:$0x3F9D];
	s0 =	simm.s32 @p0 $0x1  }
0x13: {  	[smem:$0x3FB8] =	sst s0;
	s0 =	simm.s32 @!p1 $0x0  }
0x14: {  	s2 =	sld [smem:$0x3F9C];
	s0 =	simm.s32 @p1 $0x1  }
0x15: {  	[smem:$0x3FB9] =	sst s0;
	s0 =	simm.s32 @!p2 $0x0  }
0x16: {  	s3 =	sld [smem:$0x3FDB];
	s0 =	simm.s32 @p2 $0x1  }
0x17: {  	s4 =	simm.s32 $0x1BF5;
	[smem:$0x3FBB] =	sst s0  }
0x18: {  	s0 =	sld [smem:$0x3F9E];
	_ =	swait.ge [sflag:s4], $0x0  }
0x19: {  	s7 =	sld [smem:$0x3F9F]  }
0x1a: {  	s8 =	sadd.s32 $0xFFFFE003, lr  }
0x1b: {  	s9 =	sadd.s32 $0xFFFFFEF7, lr;
	s5 =	simm.s32 $0xFFFFFFFF;
	p2 =	slt.u32 s8, $0xFFFFF086  }
0x1c: {  	p1 =	slt.u32 s9, $0xF7A;
	s5 =	simm.s32 @!p2 $0x0  }
0x1d: {  	s5 =	simm.s32 @p1 $0x1;
	p0 =	seq.s32 s7, s2  }
0x1e: {  	s7 =	smul.u32 @!p0 $0xF7A, s2;
	p2 =	seq.s32 @!p0 s5, $0x0  }
0x1f: {  	s9 =	smul.u32 $0xF7A, s1;
	s8 =	simm.s32 @!p0 $0x1BF5;
	p2 =	por !p2, p0  }
0x20: {  	[sflag:s8] =	ssyncset.s32 @!p0 $0xFFFFF086;
	s6 =	sadd.s32 @!p0 s3, s7;
	s7 =	simm.s32 @!p0 $0x108  }
0x21: {  	s3 =	sadd.s32 s3, s9;
	s6 =	sadd.s32 @!p0 $0x88, s6;
	s7 =	simm.s32 @p2 $0x1082  }
0x22: {  	[simem:s7], [sflag:s8] =	dma.local @!p0 [hbm:s6], $0xF7A  }
0x23: {  	s9 =	sor.u32 $0xD0000000, s2;
	s6 =	simm.s32 $0x108;
	_ =	swait.ge @!p0 [sflag:s8], $0x0  }
0x24: {  	s3 =	sadd.s32 $0x88, s3;
	s6 =	simm.s32 @!p1 $0x1082;
	[sflag:s4] =	ssyncset.s32 $0xFFFFF086  }
0x25: {  	[simem:s6], [sflag:s4] =	dma.local [hbm:s3], $0xF7A  }
0x26: {  	[smem:$0x3F9F] =	sst s1;
	(tag) =	ssettag s2;
	_ =	strace s9  }
0x27: {  	s1 =	sld [smem:$0x3FAF]  }
0x28: {  	s2 =	sld [smem:$0x3FB0]  }
0x29: {  	s4 =	sld [smem:$0x3FB2]  }
0x2a: {  	p0 =	seq.s32 s5, $0x0;
	s5 =	sld [smem:$0x3FB3]  }
0x2b: {  	s6 =	sld [smem:$0x3FB4]  }
0x2c: {  	s7 =	sld [smem:$0x3FB5]  }
0x2d: {  	s3 =	simm.s32 $0x108;
	s8 =	sld [smem:$0x3FB6]  }
0x2e: {  	s3 =	simm.s32 @!p0 $0x1082;
	s9 =	sld [smem:$0x3FB7]  }
0x2f: {  	lr =	sadd.s32 s0, s3;
	s0 =	sld [smem:$0x3FAE]  }
0x30: {  	s3 =	sld [smem:$0x3FB1]  }
0x31: {  	[smem:$0x3FBA] =	sst s10  }
0x32: {  	s10 =	sld [smem:$0x3FB8];
	_ =	sdelay $0x3  }
0x33: {  	p0 =	seq.s32 s10, $0x1;
	s10 =	sld [smem:$0x3FBA];
	_ =	sdelay $0x3  }
0x34: {  	[smem:$0x3FBA] =	sst s10  }
0x35: {  	s10 =	sld [smem:$0x3FB9];
	_ =	sdelay $0x3  }
0x36: {  	p1 =	seq.s32 s10, $0x1;
	s10 =	sld [smem:$0x3FBA];
	_ =	sdelay $0x3  }
0x37: {  	[smem:$0x3FBA] =	sst s10  }
0x38: {  	s10 =	sld [smem:$0x3FBB]  }
0x39: {  	_ = 	snop;
	(pc) =	sbr.ind lr, $3  }
0x3a: {  	_ = 	snop  }
0x3b: {  	_ = 	snop  }
0x3c: {  	p2 =	seq.s32 s10, $0x1;
	s10 =	sld [smem:$0x3FBA]  }
0x3d: {  	_ =	shalt  }
0x3e: {  	_ =	shalt  }
0x3f: {  	_ =	shalt  }
0x40: {  	_ =	shalt  }
0x41: {  	_ =	shalt  }
0x42: {  	_ =	shalt  }
0x43: {  	_ =	shalt  }
0x44: {  	_ =	shalt  }
0x45: {  	_ =	shalt  }
0x46: {  	_ =	shalt  }
0x47: {  	_ =	shalt  }
0x48: {  	_ =	shalt  }
0x49: {  	_ =	shalt  }
0x4a: {  	_ =	shalt  }
0x4b: {  	_ =	shalt  }
0x4c: {  	_ =	shalt  }
0x4d: {  	_ =	shalt  }
0x4e: {  	_ =	shalt  }
0x4f: {  	_ =	shalt  }
0x50: {  	_ =	shalt  }
0x51: {  	_ =	shalt  }
0x52: {  	_ =	shalt  }
0x53: {  	_ =	shalt  }
0x54: {  	_ =	shalt  }
0x55: {  	_ =	shalt  }
0x56: {  	_ =	shalt  }
0x57: {  	_ =	shalt  }
0x58: {  	_ =	shalt  }
0x59: {  	_ =	shalt  }
0x5a: {  	_ =	shalt  }
0x5b: {  	_ =	shalt  }
0x5c: {  	_ =	shalt  }
0x5d: {  	_ =	shalt  }
0x5e: {  	_ =	shalt  }
0x5f: {  	_ =	shalt  }
0x60: {  	_ =	shalt  }
0x61: {  	_ =	shalt  }
0x62: {  	_ =	shalt  }
0x63: {  	_ =	shalt  }
0x64: {  	_ =	shalt  }
0x65: {  	_ =	shalt  }
0x66: {  	_ =	shalt  }
0x67: {  	_ =	shalt  }
0x68: {  	_ =	shalt  }
0x69: {  	_ =	shalt  }
0x6a: {  	_ =	shalt  }
0x6b: {  	_ =	shalt  }
0x6c: {  	_ =	shalt  }
0x6d: {  	_ =	shalt  }
0x6e: {  	_ =	shalt  }
0x6f: {  	_ =	shalt  }
0x70: {  	_ =	shalt  }
0x71: {  	_ =	shalt  }
0x72: {  	_ =	shalt  }
0x73: {  	_ =	shalt  }
0x74: {  	_ =	shalt  }
0x75: {  	_ =	shalt  }
0x76: {  	_ =	shalt  }
0x77: {  	_ =	shalt  }
0x78: {  	_ =	shalt  }
0x79: {  	_ =	shalt  }
0x7a: {  	_ =	shalt  }
0x7b: {  	_ =	shalt  }
0x7c: {  	_ =	shalt  }
0x7d: {  	_ =	shalt  }
0x7e: {  	_ =	shalt  }
0x7f: {  	_ =	shalt  }
0x80: {  	_ =	shalt  }
0x81: {  	_ =	shalt  }
0x82: {  	_ =	shalt  }
0x83: {  	_ =	shalt  }
0x84: {  	_ =	shalt  }
0x85: {  	_ =	shalt  }
0x86: {  	_ =	shalt  }
0x87: {  	_ =	shalt  }
.Lfunc_end0:
.L_simem_size_0:
called_computation_lowered:
.L_overlay_start_0:
0x88: {  	s2 =	sld [smem:$0x3FD9]  }
0x89: {  	s3 =	sld [smem:$0x3FFE];
	_ =	sdelay $0x1  }
0x8a: {  	s1 =	srdreg.scid  }
0x8b: {  	s0 =	sand.u32 $0x1, s1  }
0x8c: {  	s14 =	sshll.u32 s0, $0xA;
	s2 =	sadd.s32 s3, s2  }
0x8d: {  	s2 =	sadd.s32 s2, s14  }
0x8e: {  	[smem:$0x3FC6] =	sst s2  }
0x8f: {  	_ = 	snop  }
0x90: {  	s2 =	sld [smem:$0x3FD0];
	_ =	sdelay $0x2  }
0x91: {  	s15 =	simm.s32 $0xA;
	s4 =	simm.s32 $0x10  }
0x92: {  	[smem:s4], [sflag:s15] =	dma.local [hbm:s2], $0x1  }
0x93: {  	_ =	swait.eq [sflag:s15], $0x1  }
0x94: {  	[sflag:s15] =	ssyncset.done $0x0  }
0x95: {  	[sflag:s15] =	ssyncadd.s32 $0xFFFFFFFF  }
0x96: {  	s16 =	sld [smem:$0x10];
	(tm) =	ssettm $0x1  }
0x97: {  	s17 =	sld [smem:$0x3FFB];
	_ =	sdelay $0x3  }
0x98: {  	_ =	strace s17  }
0x99: {  	s3 =	sld [smem:$0x3FFC];
	_ =	sdelay $0x3  }
0x9a: {  	_ =	strace s3  }
0x9b: {  	s3 =	sld [smem:$0x3FFD];
	_ =	sdelay $0x3  }
0x9c: {  	_ =	strace s3  }
0x9d: {  	_ =	strace $0x8FFFFFFF  }
0x9e: {  	s18 =	sld [smem:$0x3FDB];
	_ =	sdelay $0x1  }
0x9f: {  	s19 =	simm.s32 $_scs_section_size  }
0xa0: {  	s5 =	simm.s32 $_size__tile_overlayer_lowered;
	s6 =	simm.s32 $_tile_overlayer_lowered  }
0xa1: {  	s22 =	simm.s32 $0x1BFF;
	s21 =	sshll.u32 s6, $0x1;
	s3 =	sadd.s32 s19, s18  }
0xa2: {  	s7 =	simm.s32 $0x0;
	s20 =	sshll.u32 s5, $0x1;
	s5 =	sadd.s32 s21, s3  }
0xa3: {  	[timem:s7], [sflag:s22] =	dma.local [hbm:s5], s20  }
0xa4: {  	_ =	swait.ge [sflag:s22], s20  }
0xa5: {  	s4 =	ssub.s32 $0x0, s20;
	[sflag:s22] =	ssyncset.done $0x0  }
0xa6: {  	[sflag:s22] =	ssyncadd.s32 s4;
	_ =	sdelay $0x1  }
0xa7: {  	s23 =	simm.s32 $0x1B8B  }
0xa8: {  	_ =	swait.ge [sflag:s23], $0x1  }
0xa9: {  	[sflag:s23] =	ssyncset.done $0x0  }
0xaa: {  	s25 =	simm.s32 $0x1B8E;
	s24 =	sld [smem:$0x3FFE];
	[sflag:s23] =	ssyncadd.s32 $0xFFFFFFFF  }
0xab: {  	s26 =	simm.s32 $execute0_lowered;
	[smem:$0x3FD2] =	sst s25  }
0xac: {  	s5 =	sshll.u32 s26, $0x1;
	_ =	strace $0x80000046;
	[dreg:$0x1] =	wrdreg $0xFFFFFFFF  }
0xad: {  	s28 =	simm.s32 $_size_execute0_lowered;
	s3 =	sadd.s32 s3, s5;
	[dreg:$0x0] =	wrdreg $0x0  }
0xae: {  	s5 =	sshll.u32 s28, $0x1;
	[dreg:$0x2] =	wrdreg s3  }
0xaf: {  	[dreg:$0x3] =	wrdreg s5  }
0xb0: {  	[dreg:$0x4] =	wrdreg $0xC0  }
0xb1: {  	_ =	task [dreg:s7], $0x5FFFF  }
0xb2: {  	[dreg:$0x1] =	wrdreg $0xFFFFFFFF  }
0xb3: {  	[dreg:$0x0] =	wrdreg $0x60  }
0xb4: {  	[dreg:$0x2] =	wrdreg s24  }
0xb5: {  	[dreg:$0x3] =	wrdreg s16  }
0xb6: {  	[dreg:$0x4] =	wrdreg $0x81800  }
0xb7: {  	[dreg:$0x5] =	wrdreg $0x9  }
0xb8: {  	_ =	task.clear_ibuf [dreg:s7], $0x6FFFF;
	_ =	strace $0x90000046  }
0xb9: {  	s29 =	simm.s32 $0x9;
	_ =	strace $0x80000048  }
0xba: {  	_ =	swait.ge [sflag:s29], $0x1  }
0xbb: {  	[sflag:s29] =	ssyncadd.s32 $0xFFFFFFFF  }
0xbc: {  	_ =	strace $0x90000048  }
0xbd: {  	_ =	sfence  }
0xbe: {  	s30 =	sld [smem:$0x0];
	_ =	sdelay $0x2  }
0xbf: {  	s31 =	sshll.u32 s1, $0xD;
	s1 =	sshrl.u32 s1, $0x2  }
0xc0: {  	s3 =	sand.u32 $0x4000, s31;
	s1 =	sadd.s32 s1, s30  }
0xc1: {  	s0 =	sor.u32 s3, s0;
	s1 =	sshll.u32 s1, $0x11  }
0xc2: {  	s0 =	sor.u32 s1, s0  }
0xc3: {  	s0 =	sadd.s32 $0x8F2B, s0  }
0xc4: {  	[sflag:s0] =	ssyncadd.remote.s32 $0x1  }
0xc5: {  	_ =	sfence.sel $0xFFFF  }
0xc6: {  	[dreg:$0x0] =	wrdreg $0xFFFFFFFF;
	(pc) =	sbr.abs _section_cstart, $3  }
0xc7: {  	[dreg:$0x1] =	wrdreg $0xFFFFFFFF  }
0xc8: {  	_ =	task.clear_ibuf [dreg:s7], $0x2FFFF;
	_ =	strace $0x9FFFFFFF  }
0xc9: {  	(tm) =	ssettm $0x7FFFFFFF  }
tec
execute0_lowered:
.L_overlay_start_1:
0x0: {  	(tag) =	ssettag $0x1  }
0x1: {  	s16 =	rddreg [dreg:$0x0]  }
0x2: {  	s14 =	rddreg [dreg:$0x1]  }
0x3: {  	s1 =	rddreg [dreg:$0x2];
	s2 =	simm.s32 $0x0  }
0x4: {  	v0 =	vimm.f32 $1.000000000e+00;
	[smem:$0x7FF] =	sst s2  }
0x5: {  	s0 =	rddreg [dreg:$0x3];
	_ =	strace $0x80000047;
	[tilespmem:$0x8120] =	vst v0  }
0x6: {  	s3 =	srdreg.scid;
	[tilespmem:$0x8130] =	vst v0  }
0x7: {  	s7 =	stileid.u32;
	s17 =	sand.u32 $0x1, s3;
	[tilespmem:$0x8140] =	vst v0  }
0x8: {  	s30 =	sshll.u32 s7, $0x9;
	s4 =	sshll.u32 s17, $0x8;
	[tilespmem:$0x8100] =	vst v0  }
0x9: {  	[tilespmem:$0x8170] =	vst v0;
	s15 =	sor.u32 s4, s30  }
0xa: {  	[tilespmem:$0x8160] =	vst v0;
	s3 =	sshrl.u32 s15, $0x3  }
0xb: {  	[tilespmem:$0x8150] =	vst v0;
	s3 =	sadd.s32 s3, s16  }
0xc: {  	[tilespmem:$0x8110] =	vst v0;
	s4 =	simm.s32 $0x2;
	s3 =	sadd.s32 $0x20C00, s3  }
0xd: {  	[tilespmem:s2], [sflag:$0x2] =	stream.linear.gather [hbm4b:s3+s2], $0x100, $0x38;
	[tilespmem:$0x8380] =	vst v63  }
0xe: {  	s8 =	simm.s32 $0x100;
	s9 =	simm.s32 $0x4100;
	_ =	swait.ge [sflag:s4], $0x100  }
0xf: {  	s5 =	sadd.s32 $0xC00, s16;
	s6 =	sadd.s32 $0x21000, s16;
	[sflag:s4] =	ssyncset.done $0x0  }
0x10: {  	p0 =	sne.s32 s7, $0x0;
	s7 =	simm.s32 $0x80;
	[sflag:s4] =	ssyncadd.s32 $0xFFFFFF00  }
0x11: {  	[tilespmem:s8], [sflag:$0x1] =	stream.indirect.gather [hbm4b:s5+s7], $0x80, s2, s7, $0xb8;
	[tilespmem:$0x8380] =	vst v63  }
0x12: {  	s11 =	sshrl.u32 @!p0 s1, $0x3;
	s12 =	simm.s32 @!p0 $0x1C02;
	s10 =	simm.s32 @!p0 $0x2  }
0x13: {  	[tilespmem:s9], [sflag:$0x1] =	stream.indirect.gather [hbm4b:s5+s7], $0x80, s7, s7, $0xb8;
	[tilespmem:$0x8380] =	vst v63  }
0x14: {  	[spmem:s11], [sflag:s12] =	dma.local @!p0 [hbm:s6], $0x400  }
0x15: {  	_ =	swait.ge @!p0 [sflag:s10], $0x400  }
0x16: {  	[sflag:s10] =	ssyncset.done @!p0 $0x0  }
0x17: {  	s13 =	simm.s32 $0x1;
	[sflag:s10] =	ssyncadd.s32 @!p0 $0xFFFFFC00  }
0x18: {  	_ =	swait.ge [sflag:s13], $0x4000  }
0x19: {  	[sflag:s13] =	ssyncset.done $0x0  }
0x1a: {  	[sflag:s13] =	ssyncadd.s32 $0xFFFFC000  }
0x1b: {  	_ =	swait.ge [sflag:s13], $0x4000  }
0x1c: {  	s15 =	sshll.u32 s15, $0x4;
	[sflag:s13] =	ssyncset.done $0x0  }
0x1d: {  	s14 =	sadd.s32 s14, s15;
	[sflag:s13] =	ssyncadd.s32 $0xFFFFC000  }
0x1e: {  	[hbm4b:s14+s2] =	stream.linear.scatter [tilespmem:s8], [sflag:$0x2], $0x8000, $0x38;
	[tilespmem:$0x8380] =	vst v63  }
0x1f: {  	_ =	swait.ge [sflag:s4], $0x8000  }
0x20: {  	[sflag:s4] =	ssyncset.done $0x0  }
0x21: {  	[sflag:s4] =	ssyncadd.s32 $0xFFFF8000  }
0x22: {  	s18 =	ssub.s32 $0x2, s17;
	s15 =	simm.s32 $0x8100;
	[bflag:$0x0] =	sbarrier.arrive $0xFFFF  }
0x23: {  	[spmem:s1] =	stream.indirect.scatter.add.f32 [tilespmem:s15], [sflag:$0x2], $0x1, s2, s7, $0xb8;
	[tilespmem:$0x8380] =	vst v63  }
0x24: {  	s19 =	sshrl.u32 s18, $0x1;
	_ =	swait.ge [sflag:s4], $0x80  }
0x25: {  	s17 =	sshll.u32 s17, $0x4;
	s31 =	ssub.s32 s18, s19;
	[sflag:s4] =	ssyncset.done $0x0  }
0x26: {  	s16 =	sadd.s32 s17, s16;
	s17 =	smax.u32 s31, $0x1;
	[sflag:s4] =	ssyncadd.s32 $0xFFFFFF80  }
0x27: {  	[spmem:s1] =	stream.indirect.scatter.add.f32 [tilespmem:s15], [sflag:$0x2], $0x1, s7, s7, $0xb8;
	[tilespmem:$0x8380] =	vst v63  }
0x28: {  	s17 =	sadd.s32 $0xFFFFFFFF, s17;
	_ =	swait.ge [sflag:s4], $0x80  }
0x29: {  	s20 =	simm.s32 @!p0 $0x20;
	p1 =	sne.s32 s17, $0x0;
	[sflag:s4] =	ssyncset.done $0x0  }
.Ltmp0:
0x2a: {  	s18 =	simm.s32 @!p0 $0x10;
	[sflag:s4] =	ssyncadd.s32 $0xFFFFFF80;
	(pc) =	sbr.rel @!p1 .LBB2_2-.Ltmp0, $4  }
0x2b: {  	s19 =	simm.s32 @!p0 $0x1;
	s16 =	sadd.s32 $0x21400, s16;
	[bflag:$0x0] =	sbarrier.arrive $0xFFFF  }
0x2c: {  	[hbm:s16@s20], [sflag:s12] =	dma.strided @!p0 [spmem:s11@s18], $0x400, s19, $0x10   }
0x2d: {  	_ =	swait.ge @!p0 [sflag:s10], $0x400  }
0x2e: {  	[sflag:s10] =	ssyncset.done @!p0 $0x0  }
.LBB2_1:
0x2f: {  	s17 =	sadd.s32 $0xFFFFFFFF, s17;
	[sflag:s10] =	ssyncadd.s32 @!p0 $0xFFFFFC00  }
0x30: {  	[tilespmem:$0x8120] =	vst v0;
	p1 =	sne.s32 s17, $0x0  }
0x31: {  	[tilespmem:$0x8130] =	vst v0  }
0x32: {  	[tilespmem:$0x8140] =	vst v0  }
0x33: {  	[tilespmem:$0x8100] =	vst v0  }
0x34: {  	[tilespmem:$0x8170] =	vst v0  }
0x35: {  	[tilespmem:$0x8160] =	vst v0  }
0x36: {  	[tilespmem:$0x8150] =	vst v0  }
0x37: {  	[tilespmem:$0x8110] =	vst v0  }
0x38: {  	[tilespmem:s2], [sflag:$0x2] =	stream.linear.gather [hbm4b:s3+s2], $0x100, $0x38;
	[tilespmem:$0x8380] =	vst v63  }
0x39: {  	_ =	swait.ge [sflag:s4], $0x100  }
0x3a: {  	[sflag:s4] =	ssyncset.done $0x0  }
0x3b: {  	[sflag:s4] =	ssyncadd.s32 $0xFFFFFF00  }
0x3c: {  	[tilespmem:s8], [sflag:$0x1] =	stream.indirect.gather [hbm4b:s5+s7], $0x80, s2, s7, $0xb8;
	[tilespmem:$0x8380] =	vst v63  }
0x3d: {  	_ = 	snop  }
0x3e: {  	[tilespmem:s9], [sflag:$0x1] =	stream.indirect.gather [hbm4b:s5+s7], $0x80, s7, s7, $0xb8;
	[tilespmem:$0x8380] =	vst v63  }
0x3f: {  	[spmem:s11], [sflag:s12] =	dma.local @!p0 [hbm:s6], $0x400  }
0x40: {  	_ =	swait.ge @!p0 [sflag:s10], $0x400  }
0x41: {  	[sflag:s10] =	ssyncset.done @!p0 $0x0  }
0x42: {  	[sflag:s10] =	ssyncadd.s32 @!p0 $0xFFFFFC00  }
0x43: {  	_ =	swait.ge [sflag:s13], $0x4000  }
0x44: {  	[sflag:s13] =	ssyncset.done $0x0  }
0x45: {  	[sflag:s13] =	ssyncadd.s32 $0xFFFFC000  }
0x46: {  	_ =	swait.ge [sflag:s13], $0x4000  }
0x47: {  	[sflag:s13] =	ssyncset.done $0x0  }
0x48: {  	[sflag:s13] =	ssyncadd.s32 $0xFFFFC000  }
0x49: {  	[hbm4b:s14+s2] =	stream.linear.scatter [tilespmem:s8], [sflag:$0x2], $0x8000, $0x38;
	[tilespmem:$0x8380] =	vst v63  }
0x4a: {  	_ =	swait.ge [sflag:s4], $0x8000  }
0x4b: {  	[sflag:s4] =	ssyncset.done $0x0  }
0x4c: {  	[sflag:s4] =	ssyncadd.s32 $0xFFFF8000  }
0x4d: {  	[bflag:$0x0] =	sbarrier.arrive $0xFFFF  }
0x4e: {  	[spmem:s1] =	stream.indirect.scatter.add.f32 [tilespmem:s15], [sflag:$0x2], $0x1, s2, s7, $0xb8;
	[tilespmem:$0x8380] =	vst v63  }
0x4f: {  	_ =	swait.ge [sflag:s4], $0x80  }
0x50: {  	[sflag:s4] =	ssyncset.done $0x0  }
0x51: {  	[sflag:s4] =	ssyncadd.s32 $0xFFFFFF80  }
0x52: {  	[spmem:s1] =	stream.indirect.scatter.add.f32 [tilespmem:s15], [sflag:$0x2], $0x1, s7, s7, $0xb8;
	[tilespmem:$0x8380] =	vst v63  }
0x53: {  	_ =	swait.ge [sflag:s4], $0x80  }
0x54: {  	[sflag:s4] =	ssyncset.done $0x0  }
.Ltmp1:
0x55: {  	[sflag:s4] =	ssyncadd.s32 $0xFFFFFF80;
	(pc) =	sbr.rel @p1 .LBB2_1-.Ltmp1, $4  }
0x56: {  	[bflag:$0x0] =	sbarrier.arrive $0xFFFF  }
0x57: {  	[hbm:s16@s20], [sflag:s12] =	dma.strided @!p0 [spmem:s11@s18], $0x400, s19, $0x10   }
0x58: {  	_ =	swait.ge @!p0 [sflag:s10], $0x400  }
0x59: {  	[sflag:s10] =	ssyncset.done @!p0 $0x0  }
.LBB2_2:
0x5a: {  	[sflag:s10] =	ssyncadd.s32 @!p0 $0xFFFFFC00  }
0x5b: {  	_ =	sfence.sel $0x180000  }
0x5c: {  	[bflag:$0x0] =	sbarrier.arrive $0xFFFF  }
0x5d: {  	_ =	strace $0x90000047  }
0x5e: {  	s0 =	sadd.s32 @!p0 $0x100000, s0;
	[bflag:$0x2] =	sbarrier.arrive $0xFFFF  }
0x5f: {  	[sflag:s0] =	ssyncadd.tile.s32 @!p0 $0x1;
	_ =	shalt  }
.Lfunc_end2:
_tile_overlayer_lowered:
.L_overlay_start_2:
0x60: {  	(tag) =	ssettag $0x2  }
0x61: {  	s0 =	rddreg [dreg:$0x0];
	s2 =	stileid.u32  }
0x62: {  	s1 =	rddreg [dreg:$0x1];
	p0 =	sne.s32 s2, $0x0  }
0x63: {  	s3 =	rddreg [dreg:$0x2];
	[bflag:$0x3] =	sbarrier.arrive $0xFFFF;
	s2 =	simm.s32 @!p0 $0x1C02  }
0x64: {  	[timem:s3], [sflag:s2] =	dma.local @!p0 [hbm:s0], s1  }
0x65: {  	s0 =	simm.s32 @!p0 $0x2  }
0x66: {  	_ =	swait.ge @!p0 [sflag:s0], s1  }
0x67: {  	s1 =	ssub.s32 @!p0 $0x0, s1;
	[sflag:s0] =	ssyncset.done @!p0 $0x0  }
0x68: {  	[sflag:s0] =	ssyncadd.s32 @!p0 s1  }
0x69: {  	[bflag:$0x3] =	sbarrier.arrive $0xFFFF  }
0x6a: {  	_ =	shalt  }

</sc_bundles>
